<compile_context>
chip_gen: v7x
topology: tpu7x:2x2x1
jax: 0.10.2.dev20260603
libtpu: 0.0.44.dev20260713+nightly
codegen_flags: <defaults>
</compile_context>

<pallas_src>
import dataclasses
import functools

import jax
import jax.numpy as jnp
from jax import lax
from jax.experimental import pallas as pl
from jax.experimental.pallas import tpu as pltpu
from jax.experimental.pallas import tpu_sc as plsc

N = 10000
E = 320000
D = 128
G = 64

NPAD = 10240
NCORES = 2
NSUB = 16
NW = NCORES * NSUB
CH = 128
EPW = 10240
E_PAD = EPW * NW
NCHUNK = EPW // CH
RPT = NPAD // NSUB

_MESH = plsc.VectorSubcoreMesh(core_axis_name="c", subcore_axis_name="s")

_CP = pltpu.CompilerParams()
if "needs_layout_passes" in pltpu.CompilerParams.__dataclass_fields__:
    _CP = dataclasses.replace(_CP, needs_layout_passes=False)



@functools.partial(
    pl.kernel,
    out_type=jax.ShapeDtypeStruct((NW, NPAD), jnp.float32),
    mesh=_MESH,
    compiler_params=_CP,
    scratch_types=[
        pltpu.VMEM((NPAD,), jnp.float32),
        pltpu.VMEM((EPW,), jnp.int32),
    ],
)
def _sc_degree(dst_hbm, out_hbm, hist, didx_v):
    c = lax.axis_index("c")
    s = lax.axis_index("s")
    wid = s * NCORES + c

    pltpu.sync_copy(dst_hbm.at[pl.ds(wid * EPW, EPW)], didx_v)

    @pl.loop(0, NPAD // 16)
    def _z(i):
        hist[pl.ds(i * 16, 16)] = jnp.zeros((16,), jnp.float32)

    ones16 = jnp.ones((16,), jnp.float32)

    @pl.loop(0, EPW // 16)
    def _grp(j):
        idx = didx_v[pl.ds(j * 16, 16)]
        plsc.addupdate_scatter(hist, [idx], ones16)

    pltpu.sync_copy(hist, out_hbm.at[wid])


@functools.partial(
    pl.kernel,
    out_type=jax.ShapeDtypeStruct((NCORES, NPAD, D), jnp.float32),
    mesh=_MESH,
    scratch_types=[
        pltpu.VMEM_SHARED((NPAD, D), jnp.float32),
        pltpu.VMEM((CH,), jnp.int32),
        pltpu.VMEM((CH,), jnp.int32),
        pltpu.VMEM((CH,), jnp.int32),
        pltpu.VMEM((CH,), jnp.int32),
        pltpu.VMEM((CH, D), jnp.float32),
        pltpu.VMEM((CH, D), jnp.float32),
        pltpu.SemaphoreType.DMA,
        pltpu.SemaphoreType.DMA,
    ],
)
def _sc_scatter(table_hbm, src_hbm, dst_hbm, z_hbm, out_hbm,
                shared, sidx0, didx0, sidx1, didx1, rows0, rows1,
                gsem0, gsem1):
    c = lax.axis_index("c")
    s = lax.axis_index("s")
    wid = s * NCORES + c
    base = wid * EPW

    pltpu.sync_copy(z_hbm.at[pl.ds(s * RPT, RPT)],
                    shared.at[pl.ds(s * RPT, RPT)])

    plsc.subcore_barrier()

    def load_idx(sref, dref, ci):
        pltpu.sync_copy(src_hbm.at[pl.ds(base + ci * CH, CH)], sref)
        pltpu.sync_copy(dst_hbm.at[pl.ds(base + ci * CH, CH)], dref)

    load_idx(sidx0, didx0, 0)
    pltpu.async_copy(table_hbm.at[sidx0], rows0, gsem0)

    NP2 = NCHUNK // 2

    @pl.loop(0, NP2)
    def _pair(p):
        load_idx(sidx1, didx1, 2 * p + 1)
        pltpu.async_copy(table_hbm.at[sidx1], rows1, gsem1)
        pltpu.make_async_copy(table_hbm.at[sidx0], rows0, gsem0).wait()
        pltpu.sync_copy(rows0, shared.at[didx0], add=True)

        @pl.when(p < NP2 - 1)
        def _pre0():
            load_idx(sidx0, didx0, 2 * p + 2)
            pltpu.async_copy(table_hbm.at[sidx0], rows0, gsem0)

        pltpu.make_async_copy(table_hbm.at[sidx1], rows1, gsem1).wait()
        pltpu.sync_copy(rows1, shared.at[didx1], add=True)

    plsc.subcore_barrier()
    pltpu.sync_copy(shared.at[pl.ds(s * RPT, RPT)],
                    out_hbm.at[c, pl.ds(s * RPT, RPT)])



BR = 256
NBLK = NPAD // BR
BR3 = 400
NBLK3 = N // BR3


def _dinv_block(dacc_ref):
    deg = jnp.sum(dacc_ref[...], axis=0) + 1.0
    return lax.rsqrt(deg)


def _k1_body(dacc_ref, x_ref, w_ref, g_ref):
    dinv = _dinv_block(dacc_ref)
    g_ref[...] = dinv * jnp.dot(x_ref[...], w_ref[...],
                                preferred_element_type=jnp.float32)


def _k2_body(dacc_ref, a_ref, g_ref, b_ref, w_ref, o_ref):
    dinv = _dinv_block(dacc_ref)
    h = jnp.maximum(dinv * (a_ref[0] + a_ref[1] + g_ref[...]) + b_ref[...], 0.0)
    o_ref[...] = dinv * jnp.dot(h, w_ref[...],
                                preferred_element_type=jnp.float32)


def _k3_body(dacc_ref, a_ref, g_ref, b_ref, batch_ref, o_ref, p_acc, c_acc):
    i = pl.program_id(0)

    @pl.when(i == 0)
    def _init():
        p_acc[...] = jnp.zeros((G, D), jnp.float32)
        c_acc[...] = jnp.zeros((G, D), jnp.float32)

    dinv = _dinv_block(dacc_ref)
    h = jnp.maximum(dinv * (a_ref[0] + a_ref[1] + g_ref[...]) + b_ref[...], 0.0)
    bvec = batch_ref[0, 0, :]
    gids = lax.broadcasted_iota(jnp.int32, (BR3, G), 1)
    msk = (bvec[:, None] == gids).astype(jnp.float32)
    dn = (((0,), (0,)), ((), ()))
    p_acc[...] += lax.dot_general(msk, h, dn,
                                  preferred_element_type=jnp.float32)
    c_acc[...] += lax.dot_general(msk, jnp.ones((BR3, D), jnp.float32), dn,
                                  preferred_element_type=jnp.float32)

    @pl.when(i == NBLK3 - 1)
    def _fin():
        o_ref[...] = p_acc[...] / jnp.maximum(c_acc[...], 1.0)


_k1 = pl.pallas_call(
    _k1_body,
    grid=(NBLK,),
    in_specs=[
        pl.BlockSpec((NW, BR, 1), lambda i: (0, i, 0)),
        pl.BlockSpec((BR, D), lambda i: (i, 0)),
        pl.BlockSpec((D, D), lambda i: (0, 0)),
    ],
    out_specs=pl.BlockSpec((BR, D), lambda i: (i, 0)),
    out_shape=jax.ShapeDtypeStruct((NPAD, D), jnp.float32),
)

_k2 = pl.pallas_call(
    _k2_body,
    grid=(NBLK,),
    in_specs=[
        pl.BlockSpec((NW, BR, 1), lambda i: (0, i, 0)),
        pl.BlockSpec((NCORES, BR, D), lambda i: (0, i, 0)),
        pl.BlockSpec((BR, D), lambda i: (i, 0)),
        pl.BlockSpec((1, D), lambda i: (0, 0)),
        pl.BlockSpec((D, D), lambda i: (0, 0)),
    ],
    out_specs=pl.BlockSpec((BR, D), lambda i: (i, 0)),
    out_shape=jax.ShapeDtypeStruct((NPAD, D), jnp.float32),
)

_k3 = pl.pallas_call(
    _k3_body,
    grid=(NBLK3,),
    in_specs=[
        pl.BlockSpec((NW, BR3, 1), lambda i: (0, i, 0)),
        pl.BlockSpec((NCORES, BR3, D), lambda i: (0, i, 0)),
        pl.BlockSpec((BR3, D), lambda i: (i, 0)),
        pl.BlockSpec((1, D), lambda i: (0, 0)),
        pl.BlockSpec((1, 1, BR3), lambda i: (i, 0, 0)),
    ],
    out_specs=pl.BlockSpec((G, D), lambda i: (0, 0)),
    out_shape=jax.ShapeDtypeStruct((G, D), jnp.float32),
    scratch_shapes=[
        pltpu.VMEM((G, D), jnp.float32),
        pltpu.VMEM((G, D), jnp.float32),
    ],
)


def kernel(x, edge_index, batch, W1, b1, W2, b2):
    pad = E_PAD - E
    ramp = jnp.arange(pad, dtype=jnp.int32)
    src = jnp.concatenate([edge_index[0], ramp % N])
    dst = jnp.concatenate([edge_index[1], N + ramp % (NPAD - N)])
    x_pad = jnp.pad(x, ((0, NPAD - N), (0, 0)))
    b1r = b1.reshape(1, D)
    b2r = b2.reshape(1, D)
    batch_r = batch.reshape(NBLK3, 1, BR3)

    zD = jnp.zeros((NPAD, D), jnp.float32)

    dacc = _sc_degree(dst).reshape(NW, NPAD, 1)
    g1 = _k1(dacc, x_pad, W1)
    a1 = _sc_scatter(g1, src, dst, zD)
    g2 = _k2(dacc, a1, g1, b1r, W2)
    a2 = _sc_scatter(g2, src, dst, zD)
    return _k3(dacc, a2, g2, b2r, batch_r)

# --- scband reference (transcript-rebuilt; emitter-appended) ---
"""Pipeline reference for scband-gnnmodule-65790309040228 (READ-ONLY COPY).

The authoritative reference and input builder live on the scoring server;
editing this copy changes nothing except your own understanding.
"""

import jax, jax.numpy as jnp
import numpy as np

N = 10000
E = 320000
D = 128
H = 128
G = 64


def setup_inputs(seed: int = 0) -> dict:
    key = jax.random.key(seed)
    k1, k2, k3, k4, k5, k6, k7 = jax.random.split(key, 7)
    x = jax.random.normal(k1, (N, D), dtype=jnp.float32)
    edge_index = jax.random.randint(k2, (2, E), 0, N, dtype=jnp.int32)
    batch = jnp.sort(jax.random.randint(k3, (N,), 0, G, dtype=jnp.int32))
    s1 = 1.0 / np.sqrt(D)
    s2 = 1.0 / np.sqrt(H)
    W1 = jax.random.normal(k4, (D, H), dtype=jnp.float32) * s1
    b1 = jnp.zeros((H,), dtype=jnp.float32)
    W2 = jax.random.normal(k5, (H, H), dtype=jnp.float32) * s2
    b2 = jnp.zeros((H,), dtype=jnp.float32)
    return {"x": x, "edge_index": edge_index, "batch": batch,
            "W1": W1, "b1": b1, "W2": W2, "b2": b2}


def _gcn_conv(x, edge_index, W, b):
    # GCNConv: x' = D^{-1/2} (A + I) D^{-1/2} X W + b
    n = x.shape[0]
    loop = jnp.arange(n, dtype=edge_index.dtype)
    src = jnp.concatenate([edge_index[0], loop])
    dst = jnp.concatenate([edge_index[1], loop])
    deg = jax.ops.segment_sum(jnp.ones(src.shape, dtype=x.dtype), dst, num_segments=n)
    dinv = jnp.where(deg > 0, jax.lax.rsqrt(jnp.maximum(deg, 1.0)), 0.0)
    norm = dinv[src] * dinv[dst]
    h = x @ W
    msg = h[src] * norm[:, None]
    out = jax.ops.segment_sum(msg, dst, num_segments=n)
    return out + b


def _global_mean_pool(x, batch, num_graphs):
    s = jax.ops.segment_sum(x, batch, num_segments=num_graphs)
    cnt = jax.ops.segment_sum(jnp.ones((x.shape[0],), dtype=x.dtype), batch, num_segments=num_graphs)
    return s / jnp.maximum(cnt, 1.0)[:, None]


def reference(x, edge_index, batch, W1, b1, W2, b2):
    h = jax.nn.relu(_gcn_conv(x, edge_index, W1, b1))
    h = jax.nn.relu(_gcn_conv(h, edge_index, W2, b2))
    return _global_mean_pool(h, batch, G)

if __name__ == "__main__":
    import jax
    _d = setup_inputs()
    print(jax.jit(kernel)(*tuple(_d.values())))

</pallas_src>

<mosaic_0001>
#map = affine_map<(d0, d1) -> (0, 0)>
#map1 = affine_map<(d0, d1) -> (0)>
#map2 = affine_map<(d0, d1) -> (0, 0, 0)>
module attributes {stable_mosaic.version = 14 : i64} {
  func.func @_sc_scatter(%arg0: i32, %arg1: i32, %arg2: memref<10240x128xf32, #tpu.memory_space<hbm>>, %arg3: memref<327680xi32, #tpu.memory_space<hbm>>, %arg4: memref<327680xi32, #tpu.memory_space<hbm>>, %arg5: memref<10240x128xf32, #tpu.memory_space<hbm>>, %arg6: memref<2x10240x128xf32, #tpu.memory_space<hbm>>, %arg7: memref<10240x128xf32, #tpu.memory_space<vmem_shared>>, %arg8: memref<128xi32, #tpu.memory_space<vmem>>, %arg9: memref<128xi32, #tpu.memory_space<vmem>>, %arg10: memref<128xi32, #tpu.memory_space<vmem>>, %arg11: memref<128xi32, #tpu.memory_space<vmem>>, %arg12: memref<128x128xf32, #tpu.memory_space<vmem>>, %arg13: memref<128x128xf32, #tpu.memory_space<vmem>>, %arg14: memref<!tpu.dma_semaphore, #tpu.memory_space<semaphore_mem>>, %arg15: memref<!tpu.dma_semaphore, #tpu.memory_space<semaphore_mem>>) attributes {dimension_semantics = [#tpu.dimension_semantics<core_parallel>, #tpu.dimension_semantics<subcore_parallel>], iteration_bounds = array<i64: 2, 16>, scalar_prefetch = 0 : i64, scratch_operands = 9 : i64, tpu.core_type = #tpu.core_type<sc_vector_subcore>, window_params = [{transform_indices = #map}, {transform_indices = #map1}, {transform_indices = #map1}, {transform_indices = #map}, {transform_indices = #map2}]} {
    %mul3A = arith.constant 2 : i32
    %mul3A_0 = arith.muli %arg1, %mul3A : i32
    %add3A = arith.addi %mul3A_0, %arg0 : i32
    %mul3A_1 = arith.constant 10240 : i32
    %mul3A_2 = arith.muli %add3A, %mul3A_1 : i32
    %mul3A_3 = arith.constant 640 : i32
    %mul3A_4 = arith.muli %arg1, %mul3A_3 : i32
    %mul3A_5 = arith.constant 640 : i32
    %mul3A_6 = arith.muli %arg1, %mul3A_5 : i32
    "tpu.region"() ({
      %run_scoped3A = tpu.sem_alloc : memref<!tpu.dma_semaphore, #tpu.memory_space<semaphore_mem>>
      %dma_start3A_22 = arith.constant 0 : i32
      %dma_start3A_23 = tpu.memref_slice %arg7[%mul3A_6, %dma_start3A_22] : memref<10240x128xf32, #tpu.memory_space<vmem_shared>> -> memref<640x128xf32, #tpu.memory_space<vmem_shared>>
      %dma_start3A_24 = arith.constant 0 : i32
      %dma_start3A_25 = tpu.memref_slice %arg5[%mul3A_4, %dma_start3A_24] : memref<10240x128xf32, #tpu.memory_space<hbm>> -> memref<640x128xf32, #tpu.memory_space<hbm>>
      tpu.enqueue_dma source(%dma_start3A_25 : memref<640x128xf32, #tpu.memory_space<hbm>>) target(%dma_start3A_23 : memref<640x128xf32, #tpu.memory_space<vmem_shared>>) target_semaphore(%run_scoped3A : memref<!tpu.dma_semaphore, #tpu.memory_space<semaphore_mem>>)
      %dma_wait3A = arith.constant 0 : i32
      %dma_wait3A_26 = tpu.memref_slice %arg7[%mul3A_6, %dma_wait3A] : memref<10240x128xf32, #tpu.memory_space<vmem_shared>> -> memref<640x128xf32, #tpu.memory_space<vmem_shared>>
      %dma_wait3A_27 = arith.constant 0 : i32
      %dma_wait3A_28 = tpu.memref_slice %arg5[%mul3A_4, %dma_wait3A_27] : memref<10240x128xf32, #tpu.memory_space<hbm>> -> memref<640x128xf32, #tpu.memory_space<hbm>>
      tpu.wait_dma2 semaphore(%run_scoped3A : memref<!tpu.dma_semaphore, #tpu.memory_space<semaphore_mem>>) src(%dma_wait3A_28 : memref<640x128xf32, #tpu.memory_space<hbm>>) dst(%dma_wait3A_26 : memref<640x128xf32, #tpu.memory_space<vmem_shared>>)
      tpu.yield
    }) : () -> ()
    %barrier3A = arith.constant 0 : index
    tpu.barrier barrier_id(%barrier3A)
    %add3A_7 = arith.constant 0 : i32
    %add3A_8 = arith.addi %mul3A_2, %add3A_7 : i32
    "tpu.region"() ({
      %run_scoped3A = tpu.sem_alloc : memref<!tpu.dma_semaphore, #tpu.memory_space<semaphore_mem>>
      %dma_start3A_22 = tpu.memref_slice %arg3[%add3A_8] : memref<327680xi32, #tpu.memory_space<hbm>> -> memref<128xi32, #tpu.memory_space<hbm>>
      %dma_start3A_23 = tpu.memref_slice %arg3[%add3A_8] : memref<327680xi32, #tpu.memory_space<hbm>> -> memref<128xi32, #tpu.memory_space<hbm>>
      tpu.enqueue_dma source(%dma_start3A_23 : memref<128xi32, #tpu.memory_space<hbm>>) target(%arg8 : memref<128xi32, #tpu.memory_space<vmem>>) target_semaphore(%run_scoped3A : memref<!tpu.dma_semaphore, #tpu.memory_space<semaphore_mem>>)
      %dma_wait3A = tpu.memref_slice %arg3[%add3A_8] : memref<327680xi32, #tpu.memory_space<hbm>> -> memref<128xi32, #tpu.memory_space<hbm>>
      %dma_wait3A_24 = tpu.memref_slice %arg3[%add3A_8] : memref<327680xi32, #tpu.memory_space<hbm>> -> memref<128xi32, #tpu.memory_space<hbm>>
      tpu.wait_dma2 semaphore(%run_scoped3A : memref<!tpu.dma_semaphore, #tpu.memory_space<semaphore_mem>>) src(%dma_wait3A_24 : memref<128xi32, #tpu.memory_space<hbm>>) dst(%arg8 : memref<128xi32, #tpu.memory_space<vmem>>)
      tpu.yield
    }) : () -> ()
    %add3A_9 = arith.constant 0 : i32
    %add3A_10 = arith.addi %mul3A_2, %add3A_9 : i32
    "tpu.region"() ({
      %run_scoped3A = tpu.sem_alloc : memref<!tpu.dma_semaphore, #tpu.memory_space<semaphore_mem>>
      %dma_start3A_22 = tpu.memref_slice %arg4[%add3A_10] : memref<327680xi32, #tpu.memory_space<hbm>> -> memref<128xi32, #tpu.memory_space<hbm>>
      %dma_start3A_23 = tpu.memref_slice %arg4[%add3A_10] : memref<327680xi32, #tpu.memory_space<hbm>> -> memref<128xi32, #tpu.memory_space<hbm>>
      tpu.enqueue_dma source(%dma_start3A_23 : memref<128xi32, #tpu.memory_space<hbm>>) target(%arg9 : memref<128xi32, #tpu.memory_space<vmem>>) target_semaphore(%run_scoped3A : memref<!tpu.dma_semaphore, #tpu.memory_space<semaphore_mem>>)
      %dma_wait3A = tpu.memref_slice %arg4[%add3A_10] : memref<327680xi32, #tpu.memory_space<hbm>> -> memref<128xi32, #tpu.memory_space<hbm>>
      %dma_wait3A_24 = tpu.memref_slice %arg4[%add3A_10] : memref<327680xi32, #tpu.memory_space<hbm>> -> memref<128xi32, #tpu.memory_space<hbm>>
      tpu.wait_dma2 semaphore(%run_scoped3A : memref<!tpu.dma_semaphore, #tpu.memory_space<semaphore_mem>>) src(%dma_wait3A_24 : memref<128xi32, #tpu.memory_space<hbm>>) dst(%arg9 : memref<128xi32, #tpu.memory_space<vmem>>)
      tpu.yield
    }) : () -> ()
    %dma_start3A = arith.constant 0 : i32
    %dma_start3A_11 = arith.constant 0 : i32
    %dma_start3A_12 = tpu.memref_slice %arg2[%dma_start3A, %dma_start3A_11] : memref<10240x128xf32, #tpu.memory_space<hbm>> -> memref<10240x128xf32, #tpu.memory_space<hbm>>
    tpu.enqueue_indirect_dma source(%dma_start3A_12 : memref<10240x128xf32, #tpu.memory_space<hbm>>) target(%arg12 : memref<128x128xf32, #tpu.memory_space<vmem>>) offsets(%arg8 : memref<128xi32, #tpu.memory_space<vmem>>) semaphore(%arg14 : memref<!tpu.dma_semaphore, #tpu.memory_space<semaphore_mem>>)
    %scan3A = arith.constant 0 : i32
    %scan3A_13 = arith.constant 40 : i32
    %scan3A_14 = arith.addi %scan3A, %scan3A_13 : i32
    %scan3A_15 = arith.constant 1 : i32
    scf.for %scan3A_22 = %scan3A to %scan3A_14 step %scan3A_15  : i32 {
      %mul3A_23 = arith.constant 1 : i32
      %mul3A_24 = arith.muli %scan3A_22, %mul3A_23 : i32
      %add3A_25 = arith.constant 0 : i32
      %add3A_26 = arith.addi %add3A_25, %mul3A_24 : i32
      %mul3A_27 = arith.constant 2 : i32
      %mul3A_28 = arith.muli %mul3A_27, %add3A_26 : i32
      %add3A_29 = arith.constant 1 : i32
      %add3A_30 = arith.addi %mul3A_28, %add3A_29 : i32
      %mul3A_31 = arith.constant 128 : i32
      %mul3A_32 = arith.muli %add3A_30, %mul3A_31 : i32
      %add3A_33 = arith.addi %mul3A_2, %mul3A_32 : i32
      "tpu.region"() ({
        %run_scoped3A = tpu.sem_alloc : memref<!tpu.dma_semaphore, #tpu.memory_space<semaphore_mem>>
        %dma_start3A_47 = tpu.memref_slice %arg3[%add3A_33] : memref<327680xi32, #tpu.memory_space<hbm>> -> memref<128xi32, #tpu.memory_space<hbm>>
        %dma_start3A_48 = tpu.memref_slice %arg3[%add3A_33] : memref<327680xi32, #tpu.memory_space<hbm>> -> memref<128xi32, #tpu.memory_space<hbm>>
        tpu.enqueue_dma source(%dma_start3A_48 : memref<128xi32, #tpu.memory_space<hbm>>) target(%arg10 : memref<128xi32, #tpu.memory_space<vmem>>) target_semaphore(%run_scoped3A : memref<!tpu.dma_semaphore, #tpu.memory_space<semaphore_mem>>)
        %dma_wait3A_49 = tpu.memref_slice %arg3[%add3A_33] : memref<327680xi32, #tpu.memory_space<hbm>> -> memref<128xi32, #tpu.memory_space<hbm>>
        %dma_wait3A_50 = tpu.memref_slice %arg3[%add3A_33] : memref<327680xi32, #tpu.memory_space<hbm>> -> memref<128xi32, #tpu.memory_space<hbm>>
        tpu.wait_dma2 semaphore(%run_scoped3A : memref<!tpu.dma_semaphore, #tpu.memory_space<semaphore_mem>>) src(%dma_wait3A_50 : memref<128xi32, #tpu.memory_space<hbm>>) dst(%arg10 : memref<128xi32, #tpu.memory_space<vmem>>)
        tpu.yield
      }) : () -> ()
      %mul3A_34 = arith.constant 128 : i32
      %mul3A_35 = arith.muli %add3A_30, %mul3A_34 : i32
      %add3A_36 = arith.addi %mul3A_2, %mul3A_35 : i32
      "tpu.region"() ({
        %run_scoped3A = tpu.sem_alloc : memref<!tpu.dma_semaphore, #tpu.memory_space<semaphore_mem>>
        %dma_start3A_47 = tpu.memref_slice %arg4[%add3A_36] : memref<327680xi32, #tpu.memory_space<hbm>> -> memref<128xi32, #tpu.memory_space<hbm>>
        %dma_start3A_48 = tpu.memref_slice %arg4[%add3A_36] : memref<327680xi32, #tpu.memory_space<hbm>> -> memref<128xi32, #tpu.memory_space<hbm>>
        tpu.enqueue_dma source(%dma_start3A_48 : memref<128xi32, #tpu.memory_space<hbm>>) target(%arg11 : memref<128xi32, #tpu.memory_space<vmem>>) target_semaphore(%run_scoped3A : memref<!tpu.dma_semaphore, #tpu.memory_space<semaphore_mem>>)
        %dma_wait3A_49 = tpu.memref_slice %arg4[%add3A_36] : memref<327680xi32, #tpu.memory_space<hbm>> -> memref<128xi32, #tpu.memory_space<hbm>>
        %dma_wait3A_50 = tpu.memref_slice %arg4[%add3A_36] : memref<327680xi32, #tpu.memory_space<hbm>> -> memref<128xi32, #tpu.memory_space<hbm>>
        tpu.wait_dma2 semaphore(%run_scoped3A : memref<!tpu.dma_semaphore, #tpu.memory_space<semaphore_mem>>) src(%dma_wait3A_50 : memref<128xi32, #tpu.memory_space<hbm>>) dst(%arg11 : memref<128xi32, #tpu.memory_space<vmem>>)
        tpu.yield
      }) : () -> ()
      %dma_start3A_37 = arith.constant 0 : i32
      %dma_start3A_38 = arith.constant 0 : i32
      %dma_start3A_39 = tpu.memref_slice %arg2[%dma_start3A_37, %dma_start3A_38] : memref<10240x128xf32, #tpu.memory_space<hbm>> -> memref<10240x128xf32, #tpu.memory_space<hbm>>
      tpu.enqueue_indirect_dma source(%dma_start3A_39 : memref<10240x128xf32, #tpu.memory_space<hbm>>) target(%arg13 : memref<128x128xf32, #tpu.memory_space<vmem>>) offsets(%arg10 : memref<128xi32, #tpu.memory_space<vmem>>) semaphore(%arg15 : memref<!tpu.dma_semaphore, #tpu.memory_space<semaphore_mem>>)
      %dma_wait3A = arith.constant 0 : i32
      %dma_wait3A_40 = arith.constant 0 : i32
      %dma_wait3A_41 = tpu.memref_slice %arg2[%dma_wait3A, %dma_wait3A_40] : memref<10240x128xf32, #tpu.memory_space<hbm>> -> memref<10240x128xf32, #tpu.memory_space<hbm>>
      tpu.wait_indirect_dma semaphore(%arg14 : memref<!tpu.dma_semaphore, #tpu.memory_space<semaphore_mem>>) src(%dma_wait3A_41 : memref<10240x128xf32, #tpu.memory_space<hbm>>) dst(%arg12 : memref<128x128xf32, #tpu.memory_space<vmem>>)
      "tpu.region"() ({
        %run_scoped3A = tpu.sem_alloc : memref<!tpu.dma_semaphore, #tpu.memory_space<semaphore_mem>>
        %dma_start3A_47 = arith.constant 0 : i32
        %dma_start3A_48 = arith.constant 0 : i32
        %dma_start3A_49 = tpu.memref_slice %arg7[%dma_start3A_47, %dma_start3A_48] : memref<10240x128xf32, #tpu.memory_space<vmem_shared>> -> memref<10240x128xf32, #tpu.memory_space<vmem_shared>>
        tpu.enqueue_indirect_dma source(%arg12 : memref<128x128xf32, #tpu.memory_space<vmem>>) target(%dma_start3A_49 : memref<10240x128xf32, #tpu.memory_space<vmem_shared>>) offsets(%arg9 : memref<128xi32, #tpu.memory_space<vmem>>) semaphore(%run_scoped3A : memref<!tpu.dma_semaphore, #tpu.memory_space<semaphore_mem>>) {add = true}
        %dma_wait3A_50 = arith.constant 0 : i32
        %dma_wait3A_51 = arith.constant 0 : i32
        %dma_wait3A_52 = tpu.memref_slice %arg7[%dma_wait3A_50, %dma_wait3A_51] : memref<10240x128xf32, #tpu.memory_space<vmem_shared>> -> memref<10240x128xf32, #tpu.memory_space<vmem_shared>>
        tpu.wait_indirect_dma semaphore(%run_scoped3A : memref<!tpu.dma_semaphore, #tpu.memory_space<semaphore_mem>>) src(%arg12 : memref<128x128xf32, #tpu.memory_space<vmem>>) dst(%dma_wait3A_52 : memref<10240x128xf32, #tpu.memory_space<vmem_shared>>)
        tpu.yield
      }) : () -> ()
      %lt3A = arith.constant 39 : i32
      %lt3A_42 = arith.cmpi slt, %add3A_26, %lt3A : i32
      %convert_element_type3A = arith.extui %lt3A_42 : i1 to i32
      %cond3A = arith.constant 0 : i32
      %cond3A_43 = arith.cmpi ne, %convert_element_type3A, %cond3A : i32
      scf.if %cond3A_43 {
        %mul3A_47 = arith.constant 2 : i32
        %mul3A_48 = arith.muli %mul3A_47, %add3A_26 : i32
        %add3A_49 = arith.constant 2 : i32
        %add3A_50 = arith.addi %mul3A_48, %add3A_49 : i32
        %mul3A_51 = arith.constant 128 : i32
        %mul3A_52 = arith.muli %add3A_50, %mul3A_51 : i32
        %add3A_53 = arith.addi %mul3A_2, %mul3A_52 : i32
        "tpu.region"() ({
          %run_scoped3A = tpu.sem_alloc : memref<!tpu.dma_semaphore, #tpu.memory_space<semaphore_mem>>
          %dma_start3A_60 = tpu.memref_slice %arg3[%add3A_53] : memref<327680xi32, #tpu.memory_space<hbm>> -> memref<128xi32, #tpu.memory_space<hbm>>
          %dma_start3A_61 = tpu.memref_slice %arg3[%add3A_53] : memref<327680xi32, #tpu.memory_space<hbm>> -> memref<128xi32, #tpu.memory_space<hbm>>
          tpu.enqueue_dma source(%dma_start3A_61 : memref<128xi32, #tpu.memory_space<hbm>>) target(%arg8 : memref<128xi32, #tpu.memory_space<vmem>>) target_semaphore(%run_scoped3A : memref<!tpu.dma_semaphore, #tpu.memory_space<semaphore_mem>>)
          %dma_wait3A_62 = tpu.memref_slice %arg3[%add3A_53] : memref<327680xi32, #tpu.memory_space<hbm>> -> memref<128xi32, #tpu.memory_space<hbm>>
          %dma_wait3A_63 = tpu.memref_slice %arg3[%add3A_53] : memref<327680xi32, #tpu.memory_space<hbm>> -> memref<128xi32, #tpu.memory_space<hbm>>
          tpu.wait_dma2 semaphore(%run_scoped3A : memref<!tpu.dma_semaphore, #tpu.memory_space<semaphore_mem>>) src(%dma_wait3A_63 : memref<128xi32, #tpu.memory_space<hbm>>) dst(%arg8 : memref<128xi32, #tpu.memory_space<vmem>>)
          tpu.yield
        }) : () -> ()
        %mul3A_54 = arith.constant 128 : i32
        %mul3A_55 = arith.muli %add3A_50, %mul3A_54 : i32
        %add3A_56 = arith.addi %mul3A_2, %mul3A_55 : i32
        "tpu.region"() ({
          %run_scoped3A = tpu.sem_alloc : memref<!tpu.dma_semaphore, #tpu.memory_space<semaphore_mem>>
          %dma_start3A_60 = tpu.memref_slice %arg4[%add3A_56] : memref<327680xi32, #tpu.memory_space<hbm>> -> memref<128xi32, #tpu.memory_space<hbm>>
          %dma_start3A_61 = tpu.memref_slice %arg4[%add3A_56] : memref<327680xi32, #tpu.memory_space<hbm>> -> memref<128xi32, #tpu.memory_space<hbm>>
          tpu.enqueue_dma source(%dma_start3A_61 : memref<128xi32, #tpu.memory_space<hbm>>) target(%arg9 : memref<128xi32, #tpu.memory_space<vmem>>) target_semaphore(%run_scoped3A : memref<!tpu.dma_semaphore, #tpu.memory_space<semaphore_mem>>)
          %dma_wait3A_62 = tpu.memref_slice %arg4[%add3A_56] : memref<327680xi32, #tpu.memory_space<hbm>> -> memref<128xi32, #tpu.memory_space<hbm>>
          %dma_wait3A_63 = tpu.memref_slice %arg4[%add3A_56] : memref<327680xi32, #tpu.memory_space<hbm>> -> memref<128xi32, #tpu.memory_space<hbm>>
          tpu.wait_dma2 semaphore(%run_scoped3A : memref<!tpu.dma_semaphore, #tpu.memory_space<semaphore_mem>>) src(%dma_wait3A_63 : memref<128xi32, #tpu.memory_space<hbm>>) dst(%arg9 : memref<128xi32, #tpu.memory_space<vmem>>)
          tpu.yield
        }) : () -> ()
        %dma_start3A_57 = arith.constant 0 : i32
        %dma_start3A_58 = arith.constant 0 : i32
        %dma_start3A_59 = tpu.memref_slice %arg2[%dma_start3A_57, %dma_start3A_58] : memref<10240x128xf32, #tpu.memory_space<hbm>> -> memref<10240x128xf32, #tpu.memory_space<hbm>>
        tpu.enqueue_indirect_dma source(%dma_start3A_59 : memref<10240x128xf32, #tpu.memory_space<hbm>>) target(%arg12 : memref<128x128xf32, #tpu.memory_space<vmem>>) offsets(%arg8 : memref<128xi32, #tpu.memory_space<vmem>>) semaphore(%arg14 : memref<!tpu.dma_semaphore, #tpu.memory_space<semaphore_mem>>)
      } else {
      }
      %dma_wait3A_44 = arith.constant 0 : i32
      %dma_wait3A_45 = arith.constant 0 : i32
      %dma_wait3A_46 = tpu.memref_slice %arg2[%dma_wait3A_44, %dma_wait3A_45] : memref<10240x128xf32, #tpu.memory_space<hbm>> -> memref<10240x128xf32, #tpu.memory_space<hbm>>
      tpu.wait_indirect_dma semaphore(%arg15 : memref<!tpu.dma_semaphore, #tpu.memory_space<semaphore_mem>>) src(%dma_wait3A_46 : memref<10240x128xf32, #tpu.memory_space<hbm>>) dst(%arg13 : memref<128x128xf32, #tpu.memory_space<vmem>>)
      "tpu.region"() ({
        %run_scoped3A = tpu.sem_alloc : memref<!tpu.dma_semaphore, #tpu.memory_space<semaphore_mem>>
        %dma_start3A_47 = arith.constant 0 : i32
        %dma_start3A_48 = arith.constant 0 : i32
        %dma_start3A_49 = tpu.memref_slice %arg7[%dma_start3A_47, %dma_start3A_48] : memref<10240x128xf32, #tpu.memory_space<vmem_shared>> -> memref<10240x128xf32, #tpu.memory_space<vmem_shared>>
        tpu.enqueue_indirect_dma source(%arg13 : memref<128x128xf32, #tpu.memory_space<vmem>>) target(%dma_start3A_49 : memref<10240x128xf32, #tpu.memory_space<vmem_shared>>) offsets(%arg11 : memref<128xi32, #tpu.memory_space<vmem>>) semaphore(%run_scoped3A : memref<!tpu.dma_semaphore, #tpu.memory_space<semaphore_mem>>) {add = true}
        %dma_wait3A_50 = arith.constant 0 : i32
        %dma_wait3A_51 = arith.constant 0 : i32
        %dma_wait3A_52 = tpu.memref_slice %arg7[%dma_wait3A_50, %dma_wait3A_51] : memref<10240x128xf32, #tpu.memory_space<vmem_shared>> -> memref<10240x128xf32, #tpu.memory_space<vmem_shared>>
        tpu.wait_indirect_dma semaphore(%run_scoped3A : memref<!tpu.dma_semaphore, #tpu.memory_space<semaphore_mem>>) src(%arg13 : memref<128x128xf32, #tpu.memory_space<vmem>>) dst(%dma_wait3A_52 : memref<10240x128xf32, #tpu.memory_space<vmem_shared>>)
        tpu.yield
      }) : () -> ()
    }
    %scan3A_16 = arith.constant 40 : i32
    %barrier3A_17 = arith.constant 0 : index
    tpu.barrier barrier_id(%barrier3A_17)
    %mul3A_18 = arith.constant 640 : i32
    %mul3A_19 = arith.muli %arg1, %mul3A_18 : i32
    %mul3A_20 = arith.constant 640 : i32
    %mul3A_21 = arith.muli %arg1, %mul3A_20 : i32
    "tpu.region"() ({
      %run_scoped3A = tpu.sem_alloc : memref<!tpu.dma_semaphore, #tpu.memory_space<semaphore_mem>>
      %dma_start3A_22 = arith.constant 0 : i32
      %dma_start3A_23 = tpu.memref_slice %arg6[%arg0, %mul3A_21, %dma_start3A_22] : memref<2x10240x128xf32, #tpu.memory_space<hbm>> -> memref<1x640x128xf32, #tpu.memory_space<hbm>>
      %dma_start3A_24 = tpu.memref_squeeze %dma_start3A_23 : memref<1x640x128xf32, #tpu.memory_space<hbm>> -> memref<640x128xf32, #tpu.memory_space<hbm>>
      %dma_start3A_25 = arith.constant 0 : i32
      %dma_start3A_26 = tpu.memref_slice %arg7[%mul3A_19, %dma_start3A_25] : memref<10240x128xf32, #tpu.memory_space<vmem_shared>> -> memref<640x128xf32, #tpu.memory_space<vmem_shared>>
      tpu.enqueue_dma source(%dma_start3A_26 : memref<640x128xf32, #tpu.memory_space<vmem_shared>>) target(%dma_start3A_24 : memref<640x128xf32, #tpu.memory_space<hbm>>) target_semaphore(%run_scoped3A : memref<!tpu.dma_semaphore, #tpu.memory_space<semaphore_mem>>)
      %dma_wait3A = arith.constant 0 : i32
      %dma_wait3A_27 = tpu.memref_slice %arg6[%arg0, %mul3A_21, %dma_wait3A] : memref<2x10240x128xf32, #tpu.memory_space<hbm>> -> memref<1x640x128xf32, #tpu.memory_space<hbm>>
      %dma_wait3A_28 = tpu.memref_squeeze %dma_wait3A_27 : memref<1x640x128xf32, #tpu.memory_space<hbm>> -> memref<640x128xf32, #tpu.memory_space<hbm>>
      %dma_wait3A_29 = arith.constant 0 : i32
      %dma_wait3A_30 = tpu.memref_slice %arg7[%mul3A_19, %dma_wait3A_29] : memref<10240x128xf32, #tpu.memory_space<vmem_shared>> -> memref<640x128xf32, #tpu.memory_space<vmem_shared>>
      tpu.wait_dma2 semaphore(%run_scoped3A : memref<!tpu.dma_semaphore, #tpu.memory_space<semaphore_mem>>) src(%dma_wait3A_30 : memref<640x128xf32, #tpu.memory_space<vmem_shared>>) dst(%dma_wait3A_28 : memref<640x128xf32, #tpu.memory_space<hbm>>)
      tpu.yield
    }) : () -> ()
    return
  }
}

#map = affine_map<(d0, d1) -> (0)>
#map1 = affine_map<(d0, d1) -> (0, 0)>
module attributes {stable_mosaic.version = 14 : i64} {
  func.func @_sc_degree(%arg0: i32, %arg1: i32, %arg2: memref<327680xi32, #tpu.memory_space<hbm>>, %arg3: memref<32x10240xf32, #tpu.memory_space<hbm>>, %arg4: memref<10240xf32, #tpu.memory_space<vmem>>, %arg5: memref<10240xi32, #tpu.memory_space<vmem>>) attributes {dimension_semantics = [#tpu.dimension_semantics<core_parallel>, #tpu.dimension_semantics<subcore_parallel>], iteration_bounds = array<i64: 2, 16>, scalar_prefetch = 0 : i64, scratch_operands = 2 : i64, tpu.core_type = #tpu.core_type<sc_vector_subcore>, window_params = [{transform_indices = #map}, {transform_indices = #map1}]} {
    %mul3A = arith.constant 2 : i32
    %mul3A_0 = arith.muli %arg1, %mul3A : i32
    %add3A = arith.addi %mul3A_0, %arg0 : i32
    %mul3A_1 = arith.constant 10240 : i32
    %mul3A_2 = arith.muli %add3A, %mul3A_1 : i32
    "tpu.region"() ({
      %run_scoped3A = tpu.sem_alloc : memref<!tpu.dma_semaphore, #tpu.memory_space<semaphore_mem>>
      %dma_start3A = tpu.memref_slice %arg2[%mul3A_2] : memref<327680xi32, #tpu.memory_space<hbm>> -> memref<10240xi32, #tpu.memory_space<hbm>>
      %dma_start3A_13 = tpu.memref_slice %arg2[%mul3A_2] : memref<327680xi32, #tpu.memory_space<hbm>> -> memref<10240xi32, #tpu.memory_space<hbm>>
      tpu.enqueue_dma source(%dma_start3A_13 : memref<10240xi32, #tpu.memory_space<hbm>>) target(%arg5 : memref<10240xi32, #tpu.memory_space<vmem>>) target_semaphore(%run_scoped3A : memref<!tpu.dma_semaphore, #tpu.memory_space<semaphore_mem>>)
      %dma_wait3A = tpu.memref_slice %arg2[%mul3A_2] : memref<327680xi32, #tpu.memory_space<hbm>> -> memref<10240xi32, #tpu.memory_space<hbm>>
      %dma_wait3A_14 = tpu.memref_slice %arg2[%mul3A_2] : memref<327680xi32, #tpu.memory_space<hbm>> -> memref<10240xi32, #tpu.memory_space<hbm>>
      tpu.wait_dma2 semaphore(%run_scoped3A : memref<!tpu.dma_semaphore, #tpu.memory_space<semaphore_mem>>) src(%dma_wait3A_14 : memref<10240xi32, #tpu.memory_space<hbm>>) dst(%arg5 : memref<10240xi32, #tpu.memory_space<vmem>>)
      tpu.yield
    }) : () -> ()
    %scan3A = arith.constant 0 : i32
    %scan3A_3 = arith.constant 640 : i32
    %scan3A_4 = arith.addi %scan3A, %scan3A_3 : i32
    %scan3A_5 = arith.constant 1 : i32
    scf.for %scan3A_13 = %scan3A to %scan3A_4 step %scan3A_5  : i32 {
      %mul3A_14 = arith.constant 1 : i32
      %mul3A_15 = arith.muli %scan3A_13, %mul3A_14 : i32
      %add3A_16 = arith.constant 0 : i32
      %add3A_17 = arith.addi %add3A_16, %mul3A_15 : i32
      %broadcast_in_dim3A_18 = arith.constant 0.000000e+00 : f32
      %broadcast_in_dim3A_19 = vector.broadcast %broadcast_in_dim3A_18 : f32 to vector<16xf32>
      %mul3A_20 = arith.constant 16 : i32
      %mul3A_21 = arith.muli %add3A_17, %mul3A_20 : i32
      %swap3A = arith.index_cast %mul3A_21 : i32 to index
      %swap3A_22 = tpu.vector_load %arg4[%swap3A] {strides = array<i32>} : memref<10240xf32, #tpu.memory_space<vmem>>, vector<16xf32>,
      tpu.vector_store %arg4[%swap3A], %broadcast_in_dim3A_19 {strides = array<i32>} : memref<10240xf32, #tpu.memory_space<vmem>>, vector<16xf32>,
    }
    %scan3A_6 = arith.constant 640 : i32
    %broadcast_in_dim3A = arith.constant 1.000000e+00 : f32
    %broadcast_in_dim3A_7 = vector.broadcast %broadcast_in_dim3A : f32 to vector<16xf32>
    %scan3A_8 = arith.constant 0 : i32
    %scan3A_9 = arith.constant 640 : i32
    %scan3A_10 = arith.addi %scan3A_8, %scan3A_9 : i32
    %scan3A_11 = arith.constant 1 : i32
    scf.for %scan3A_13 = %scan3A_8 to %scan3A_10 step %scan3A_11  : i32 {
      %mul3A_14 = arith.constant 1 : i32
      %mul3A_15 = arith.muli %scan3A_13, %mul3A_14 : i32
      %add3A_16 = arith.constant 0 : i32
      %add3A_17 = arith.addi %add3A_16, %mul3A_15 : i32
      %mul3A_18 = arith.constant 16 : i32
      %mul3A_19 = arith.muli %add3A_17, %mul3A_18 : i32
      %get3A = arith.index_cast %mul3A_19 : i32 to index
      %get3A_20 = tpu.vector_load %arg5[%get3A] {strides = array<i32>} : memref<10240xi32, #tpu.memory_space<vmem>>, vector<16xi32>,
      tpu.vector_store_idx %arg4[%get3A_20], %broadcast_in_dim3A_7 {add = true} : memref<10240xf32, #tpu.memory_space<vmem>>[vector<16xi32>], vector<16xf32>,
    }
    %scan3A_12 = arith.constant 640 : i32
    "tpu.region"() ({
      %run_scoped3A = tpu.sem_alloc : memref<!tpu.dma_semaphore, #tpu.memory_space<semaphore_mem>>
      %dma_start3A = arith.constant 0 : i32
      %dma_start3A_13 = tpu.memref_slice %arg3[%add3A, %dma_start3A] : memref<32x10240xf32, #tpu.memory_space<hbm>> -> memref<1x10240xf32, #tpu.memory_space<hbm>>
      %dma_start3A_14 = tpu.memref_squeeze %dma_start3A_13 : memref<1x10240xf32, #tpu.memory_space<hbm>> -> memref<10240xf32, #tpu.memory_space<hbm>>
      %dma_start3A_15 = arith.constant 0 : i32
      %dma_start3A_16 = tpu.memref_slice %arg3[%add3A, %dma_start3A_15] : memref<32x10240xf32, #tpu.memory_space<hbm>> -> memref<1x10240xf32, #tpu.memory_space<hbm>>
      %dma_start3A_17 = tpu.memref_squeeze %dma_start3A_16 : memref<1x10240xf32, #tpu.memory_space<hbm>> -> memref<10240xf32, #tpu.memory_space<hbm>>
      tpu.enqueue_dma source(%arg4 : memref<10240xf32, #tpu.memory_space<vmem>>) target(%dma_start3A_17 : memref<10240xf32, #tpu.memory_space<hbm>>) target_semaphore(%run_scoped3A : memref<!tpu.dma_semaphore, #tpu.memory_space<semaphore_mem>>)
      %dma_wait3A = arith.constant 0 : i32
      %dma_wait3A_18 = tpu.memref_slice %arg3[%add3A, %dma_wait3A] : memref<32x10240xf32, #tpu.memory_space<hbm>> -> memref<1x10240xf32, #tpu.memory_space<hbm>>
      %dma_wait3A_19 = tpu.memref_squeeze %dma_wait3A_18 : memref<1x10240xf32, #tpu.memory_space<hbm>> -> memref<10240xf32, #tpu.memory_space<hbm>>
      %dma_wait3A_20 = arith.constant 0 : i32
      %dma_wait3A_21 = tpu.memref_slice %arg3[%add3A, %dma_wait3A_20] : memref<32x10240xf32, #tpu.memory_space<hbm>> -> memref<1x10240xf32, #tpu.memory_space<hbm>>
      %dma_wait3A_22 = tpu.memref_squeeze %dma_wait3A_21 : memref<1x10240xf32, #tpu.memory_space<hbm>> -> memref<10240xf32, #tpu.memory_space<hbm>>
      tpu.wait_dma2 semaphore(%run_scoped3A : memref<!tpu.dma_semaphore, #tpu.memory_space<semaphore_mem>>) src(%arg4 : memref<10240xf32, #tpu.memory_space<vmem>>) dst(%dma_wait3A_22 : memref<10240xf32, #tpu.memory_space<hbm>>)
      tpu.yield
    }) : () -> ()
    return
  }
}

#map = affine_map<(d0, d1) -> (0, 0)>
#map1 = affine_map<(d0, d1) -> (0)>
#map2 = affine_map<(d0, d1) -> (0, 0, 0)>
module attributes {stable_mosaic.version = 14 : i64} {
  func.func @_sc_scatter(%arg0: i32, %arg1: i32, %arg2: memref<10240x128xf32, #tpu.memory_space<hbm>>, %arg3: memref<327680xi32, #tpu.memory_space<hbm>>, %arg4: memref<327680xi32, #tpu.memory_space<hbm>>, %arg5: memref<10240x128xf32, #tpu.memory_space<hbm>>, %arg6: memref<2x10240x128xf32, #tpu.memory_space<hbm>>, %arg7: memref<10240x128xf32, #tpu.memory_space<vmem_shared>>, %arg8: memref<128xi32, #tpu.memory_space<vmem>>, %arg9: memref<128xi32, #tpu.memory_space<vmem>>, %arg10: memref<128xi32, #tpu.memory_space<vmem>>, %arg11: memref<128xi32, #tpu.memory_space<vmem>>, %arg12: memref<128x128xf32, #tpu.memory_space<vmem>>, %arg13: memref<128x128xf32, #tpu.memory_space<vmem>>, %arg14: memref<!tpu.dma_semaphore, #tpu.memory_space<semaphore_mem>>, %arg15: memref<!tpu.dma_semaphore, #tpu.memory_space<semaphore_mem>>) attributes {dimension_semantics = [#tpu.dimension_semantics<core_parallel>, #tpu.dimension_semantics<subcore_parallel>], iteration_bounds = array<i64: 2, 16>, scalar_prefetch = 0 : i64, scratch_operands = 9 : i64, tpu.core_type = #tpu.core_type<sc_vector_subcore>, window_params = [{transform_indices = #map}, {transform_indices = #map1}, {transform_indices = #map1}, {transform_indices = #map}, {transform_indices = #map2}]} {
    %mul3A = arith.constant 2 : i32
    %mul3A_0 = arith.muli %arg1, %mul3A : i32
    %add3A = arith.addi %mul3A_0, %arg0 : i32
    %mul3A_1 = arith.constant 10240 : i32
    %mul3A_2 = arith.muli %add3A, %mul3A_1 : i32
    %mul3A_3 = arith.constant 640 : i32
    %mul3A_4 = arith.muli %arg1, %mul3A_3 : i32
    %mul3A_5 = arith.constant 640 : i32
    %mul3A_6 = arith.muli %arg1, %mul3A_5 : i32
    "tpu.region"() ({
      %run_scoped3A = tpu.sem_alloc : memref<!tpu.dma_semaphore, #tpu.memory_space<semaphore_mem>>
      %dma_start3A_22 = arith.constant 0 : i32
      %dma_start3A_23 = tpu.memref_slice %arg7[%mul3A_6, %dma_start3A_22] : memref<10240x128xf32, #tpu.memory_space<vmem_shared>> -> memref<640x128xf32, #tpu.memory_space<vmem_shared>>
      %dma_start3A_24 = arith.constant 0 : i32
      %dma_start3A_25 = tpu.memref_slice %arg5[%mul3A_4, %dma_start3A_24] : memref<10240x128xf32, #tpu.memory_space<hbm>> -> memref<640x128xf32, #tpu.memory_space<hbm>>
      tpu.enqueue_dma source(%dma_start3A_25 : memref<640x128xf32, #tpu.memory_space<hbm>>) target(%dma_start3A_23 : memref<640x128xf32, #tpu.memory_space<vmem_shared>>) target_semaphore(%run_scoped3A : memref<!tpu.dma_semaphore, #tpu.memory_space<semaphore_mem>>)
      %dma_wait3A = arith.constant 0 : i32
      %dma_wait3A_26 = tpu.memref_slice %arg7[%mul3A_6, %dma_wait3A] : memref<10240x128xf32, #tpu.memory_space<vmem_shared>> -> memref<640x128xf32, #tpu.memory_space<vmem_shared>>
      %dma_wait3A_27 = arith.constant 0 : i32
      %dma_wait3A_28 = tpu.memref_slice %arg5[%mul3A_4, %dma_wait3A_27] : memref<10240x128xf32, #tpu.memory_space<hbm>> -> memref<640x128xf32, #tpu.memory_space<hbm>>
      tpu.wait_dma2 semaphore(%run_scoped3A : memref<!tpu.dma_semaphore, #tpu.memory_space<semaphore_mem>>) src(%dma_wait3A_28 : memref<640x128xf32, #tpu.memory_space<hbm>>) dst(%dma_wait3A_26 : memref<640x128xf32, #tpu.memory_space<vmem_shared>>)
      tpu.yield
    }) : () -> ()
    %barrier3A = arith.constant 0 : index
    tpu.barrier barrier_id(%barrier3A)
    %add3A_7 = arith.constant 0 : i32
    %add3A_8 = arith.addi %mul3A_2, %add3A_7 : i32
    "tpu.region"() ({
      %run_scoped3A = tpu.sem_alloc : memref<!tpu.dma_semaphore, #tpu.memory_space<semaphore_mem>>
      %dma_start3A_22 = tpu.memref_slice %arg3[%add3A_8] : memref<327680xi32, #tpu.memory_space<hbm>> -> memref<128xi32, #tpu.memory_space<hbm>>
      %dma_start3A_23 = tpu.memref_slice %arg3[%add3A_8] : memref<327680xi32, #tpu.memory_space<hbm>> -> memref<128xi32, #tpu.memory_space<hbm>>
      tpu.enqueue_dma source(%dma_start3A_23 : memref<128xi32, #tpu.memory_space<hbm>>) target(%arg8 : memref<128xi32, #tpu.memory_space<vmem>>) target_semaphore(%run_scoped3A : memref<!tpu.dma_semaphore, #tpu.memory_space<semaphore_mem>>)
      %dma_wait3A = tpu.memref_slice %arg3[%add3A_8] : memref<327680xi32, #tpu.memory_space<hbm>> -> memref<128xi32, #tpu.memory_space<hbm>>
      %dma_wait3A_24 = tpu.memref_slice %arg3[%add3A_8] : memref<327680xi32, #tpu.memory_space<hbm>> -> memref<128xi32, #tpu.memory_space<hbm>>
      tpu.wait_dma2 semaphore(%run_scoped3A : memref<!tpu.dma_semaphore, #tpu.memory_space<semaphore_mem>>) src(%dma_wait3A_24 : memref<128xi32, #tpu.memory_space<hbm>>) dst(%arg8 : memref<128xi32, #tpu.memory_space<vmem>>)
      tpu.yield
    }) : () -> ()
    %add3A_9 = arith.constant 0 : i32
    %add3A_10 = arith.addi %mul3A_2, %add3A_9 : i32
    "tpu.region"() ({
      %run_scoped3A = tpu.sem_alloc : memref<!tpu.dma_semaphore, #tpu.memory_space<semaphore_mem>>
      %dma_start3A_22 = tpu.memref_slice %arg4[%add3A_10] : memref<327680xi32, #tpu.memory_space<hbm>> -> memref<128xi32, #tpu.memory_space<hbm>>
      %dma_start3A_23 = tpu.memref_slice %arg4[%add3A_10] : memref<327680xi32, #tpu.memory_space<hbm>> -> memref<128xi32, #tpu.memory_space<hbm>>
      tpu.enqueue_dma source(%dma_start3A_23 : memref<128xi32, #tpu.memory_space<hbm>>) target(%arg9 : memref<128xi32, #tpu.memory_space<vmem>>) target_semaphore(%run_scoped3A : memref<!tpu.dma_semaphore, #tpu.memory_space<semaphore_mem>>)
      %dma_wait3A = tpu.memref_slice %arg4[%add3A_10] : memref<327680xi32, #tpu.memory_space<hbm>> -> memref<128xi32, #tpu.memory_space<hbm>>
      %dma_wait3A_24 = tpu.memref_slice %arg4[%add3A_10] : memref<327680xi32, #tpu.memory_space<hbm>> -> memref<128xi32, #tpu.memory_space<hbm>>
      tpu.wait_dma2 semaphore(%run_scoped3A : memref<!tpu.dma_semaphore, #tpu.memory_space<semaphore_mem>>) src(%dma_wait3A_24 : memref<128xi32, #tpu.memory_space<hbm>>) dst(%arg9 : memref<128xi32, #tpu.memory_space<vmem>>)
      tpu.yield
    }) : () -> ()
    %dma_start3A = arith.constant 0 : i32
    %dma_start3A_11 = arith.constant 0 : i32
    %dma_start3A_12 = tpu.memref_slice %arg2[%dma_start3A, %dma_start3A_11] : memref<10240x128xf32, #tpu.memory_space<hbm>> -> memref<10240x128xf32, #tpu.memory_space<hbm>>
    tpu.enqueue_indirect_dma source(%dma_start3A_12 : memref<10240x128xf32, #tpu.memory_space<hbm>>) target(%arg12 : memref<128x128xf32, #tpu.memory_space<vmem>>) offsets(%arg8 : memref<128xi32, #tpu.memory_space<vmem>>) semaphore(%arg14 : memref<!tpu.dma_semaphore, #tpu.memory_space<semaphore_mem>>)
    %scan3A = arith.constant 0 : i32
    %scan3A_13 = arith.constant 40 : i32
    %scan3A_14 = arith.addi %scan3A, %scan3A_13 : i32
    %scan3A_15 = arith.constant 1 : i32
    scf.for %scan3A_22 = %scan3A to %scan3A_14 step %scan3A_15  : i32 {
      %mul3A_23 = arith.constant 1 : i32
      %mul3A_24 = arith.muli %scan3A_22, %mul3A_23 : i32
      %add3A_25 = arith.constant 0 : i32
      %add3A_26 = arith.addi %add3A_25, %mul3A_24 : i32
      %mul3A_27 = arith.constant 2 : i32
      %mul3A_28 = arith.muli %mul3A_27, %add3A_26 : i32
      %add3A_29 = arith.constant 1 : i32
      %add3A_30 = arith.addi %mul3A_28, %add3A_29 : i32
      %mul3A_31 = arith.constant 128 : i32
      %mul3A_32 = arith.muli %add3A_30, %mul3A_31 : i32
      %add3A_33 = arith.addi %mul3A_2, %mul3A_32 : i32
      "tpu.region"() ({
        %run_scoped3A = tpu.sem_alloc : memref<!tpu.dma_semaphore, #tpu.memory_space<semaphore_mem>>
        %dma_start3A_47 = tpu.memref_slice %arg3[%add3A_33] : memref<327680xi32, #tpu.memory_space<hbm>> -> memref<128xi32, #tpu.memory_space<hbm>>
        %dma_start3A_48 = tpu.memref_slice %arg3[%add3A_33] : memref<327680xi32, #tpu.memory_space<hbm>> -> memref<128xi32, #tpu.memory_space<hbm>>
        tpu.enqueue_dma source(%dma_start3A_48 : memref<128xi32, #tpu.memory_space<hbm>>) target(%arg10 : memref<128xi32, #tpu.memory_space<vmem>>) target_semaphore(%run_scoped3A : memref<!tpu.dma_semaphore, #tpu.memory_space<semaphore_mem>>)
        %dma_wait3A_49 = tpu.memref_slice %arg3[%add3A_33] : memref<327680xi32, #tpu.memory_space<hbm>> -> memref<128xi32, #tpu.memory_space<hbm>>
        %dma_wait3A_50 = tpu.memref_slice %arg3[%add3A_33] : memref<327680xi32, #tpu.memory_space<hbm>> -> memref<128xi32, #tpu.memory_space<hbm>>
        tpu.wait_dma2 semaphore(%run_scoped3A : memref<!tpu.dma_semaphore, #tpu.memory_space<semaphore_mem>>) src(%dma_wait3A_50 : memref<128xi32, #tpu.memory_space<hbm>>) dst(%arg10 : memref<128xi32, #tpu.memory_space<vmem>>)
        tpu.yield
      }) : () -> ()
      %mul3A_34 = arith.constant 128 : i32
      %mul3A_35 = arith.muli %add3A_30, %mul3A_34 : i32
      %add3A_36 = arith.addi %mul3A_2, %mul3A_35 : i32
      "tpu.region"() ({
        %run_scoped3A = tpu.sem_alloc : memref<!tpu.dma_semaphore, #tpu.memory_space<semaphore_mem>>
        %dma_start3A_47 = tpu.memref_slice %arg4[%add3A_36] : memref<327680xi32, #tpu.memory_space<hbm>> -> memref<128xi32, #tpu.memory_space<hbm>>
        %dma_start3A_48 = tpu.memref_slice %arg4[%add3A_36] : memref<327680xi32, #tpu.memory_space<hbm>> -> memref<128xi32, #tpu.memory_space<hbm>>
        tpu.enqueue_dma source(%dma_start3A_48 : memref<128xi32, #tpu.memory_space<hbm>>) target(%arg11 : memref<128xi32, #tpu.memory_space<vmem>>) target_semaphore(%run_scoped3A : memref<!tpu.dma_semaphore, #tpu.memory_space<semaphore_mem>>)
        %dma_wait3A_49 = tpu.memref_slice %arg4[%add3A_36] : memref<327680xi32, #tpu.memory_space<hbm>> -> memref<128xi32, #tpu.memory_space<hbm>>
        %dma_wait3A_50 = tpu.memref_slice %arg4[%add3A_36] : memref<327680xi32, #tpu.memory_space<hbm>> -> memref<128xi32, #tpu.memory_space<hbm>>
        tpu.wait_dma2 semaphore(%run_scoped3A : memref<!tpu.dma_semaphore, #tpu.memory_space<semaphore_mem>>) src(%dma_wait3A_50 : memref<128xi32, #tpu.memory_space<hbm>>) dst(%arg11 : memref<128xi32, #tpu.memory_space<vmem>>)
        tpu.yield
      }) : () -> ()
      %dma_start3A_37 = arith.constant 0 : i32
      %dma_start3A_38 = arith.constant 0 : i32
      %dma_start3A_39 = tpu.memref_slice %arg2[%dma_start3A_37, %dma_start3A_38] : memref<10240x128xf32, #tpu.memory_space<hbm>> -> memref<10240x128xf32, #tpu.memory_space<hbm>>
      tpu.enqueue_indirect_dma source(%dma_start3A_39 : memref<10240x128xf32, #tpu.memory_space<hbm>>) target(%arg13 : memref<128x128xf32, #tpu.memory_space<vmem>>) offsets(%arg10 : memref<128xi32, #tpu.memory_space<vmem>>) semaphore(%arg15 : memref<!tpu.dma_semaphore, #tpu.memory_space<semaphore_mem>>)
      %dma_wait3A = arith.constant 0 : i32
      %dma_wait3A_40 = arith.constant 0 : i32
      %dma_wait3A_41 = tpu.memref_slice %arg2[%dma_wait3A, %dma_wait3A_40] : memref<10240x128xf32, #tpu.memory_space<hbm>> -> memref<10240x128xf32, #tpu.memory_space<hbm>>
      tpu.wait_indirect_dma semaphore(%arg14 : memref<!tpu.dma_semaphore, #tpu.memory_space<semaphore_mem>>) src(%dma_wait3A_41 : memref<10240x128xf32, #tpu.memory_space<hbm>>) dst(%arg12 : memref<128x128xf32, #tpu.memory_space<vmem>>)
      "tpu.region"() ({
        %run_scoped3A = tpu.sem_alloc : memref<!tpu.dma_semaphore, #tpu.memory_space<semaphore_mem>>
        %dma_start3A_47 = arith.constant 0 : i32
        %dma_start3A_48 = arith.constant 0 : i32
        %dma_start3A_49 = tpu.memref_slice %arg7[%dma_start3A_47, %dma_start3A_48] : memref<10240x128xf32, #tpu.memory_space<vmem_shared>> -> memref<10240x128xf32, #tpu.memory_space<vmem_shared>>
        tpu.enqueue_indirect_dma source(%arg12 : memref<128x128xf32, #tpu.memory_space<vmem>>) target(%dma_start3A_49 : memref<10240x128xf32, #tpu.memory_space<vmem_shared>>) offsets(%arg9 : memref<128xi32, #tpu.memory_space<vmem>>) semaphore(%run_scoped3A : memref<!tpu.dma_semaphore, #tpu.memory_space<semaphore_mem>>) {add = true}
        %dma_wait3A_50 = arith.constant 0 : i32
        %dma_wait3A_51 = arith.constant 0 : i32
        %dma_wait3A_52 = tpu.memref_slice %arg7[%dma_wait3A_50, %dma_wait3A_51] : memref<10240x128xf32, #tpu.memory_space<vmem_shared>> -> memref<10240x128xf32, #tpu.memory_space<vmem_shared>>
        tpu.wait_indirect_dma semaphore(%run_scoped3A : memref<!tpu.dma_semaphore, #tpu.memory_space<semaphore_mem>>) src(%arg12 : memref<128x128xf32, #tpu.memory_space<vmem>>) dst(%dma_wait3A_52 : memref<10240x128xf32, #tpu.memory_space<vmem_shared>>)
        tpu.yield
      }) : () -> ()
      %lt3A = arith.constant 39 : i32
      %lt3A_42 = arith.cmpi slt, %add3A_26, %lt3A : i32
      %convert_element_type3A = arith.extui %lt3A_42 : i1 to i32
      %cond3A = arith.constant 0 : i32
      %cond3A_43 = arith.cmpi ne, %convert_element_type3A, %cond3A : i32
      scf.if %cond3A_43 {
        %mul3A_47 = arith.constant 2 : i32
        %mul3A_48 = arith.muli %mul3A_47, %add3A_26 : i32
        %add3A_49 = arith.constant 2 : i32
        %add3A_50 = arith.addi %mul3A_48, %add3A_49 : i32
        %mul3A_51 = arith.constant 128 : i32
        %mul3A_52 = arith.muli %add3A_50, %mul3A_51 : i32
        %add3A_53 = arith.addi %mul3A_2, %mul3A_52 : i32
        "tpu.region"() ({
          %run_scoped3A = tpu.sem_alloc : memref<!tpu.dma_semaphore, #tpu.memory_space<semaphore_mem>>
          %dma_start3A_60 = tpu.memref_slice %arg3[%add3A_53] : memref<327680xi32, #tpu.memory_space<hbm>> -> memref<128xi32, #tpu.memory_space<hbm>>
          %dma_start3A_61 = tpu.memref_slice %arg3[%add3A_53] : memref<327680xi32, #tpu.memory_space<hbm>> -> memref<128xi32, #tpu.memory_space<hbm>>
          tpu.enqueue_dma source(%dma_start3A_61 : memref<128xi32, #tpu.memory_space<hbm>>) target(%arg8 : memref<128xi32, #tpu.memory_space<vmem>>) target_semaphore(%run_scoped3A : memref<!tpu.dma_semaphore, #tpu.memory_space<semaphore_mem>>)
          %dma_wait3A_62 = tpu.memref_slice %arg3[%add3A_53] : memref<327680xi32, #tpu.memory_space<hbm>> -> memref<128xi32, #tpu.memory_space<hbm>>
          %dma_wait3A_63 = tpu.memref_slice %arg3[%add3A_53] : memref<327680xi32, #tpu.memory_space<hbm>> -> memref<128xi32, #tpu.memory_space<hbm>>
          tpu.wait_dma2 semaphore(%run_scoped3A : memref<!tpu.dma_semaphore, #tpu.memory_space<semaphore_mem>>) src(%dma_wait3A_63 : memref<128xi32, #tpu.memory_space<hbm>>) dst(%arg8 : memref<128xi32, #tpu.memory_space<vmem>>)
          tpu.yield
        }) : () -> ()
        %mul3A_54 = arith.constant 128 : i32
        %mul3A_55 = arith.muli %add3A_50, %mul3A_54 : i32
        %add3A_56 = arith.addi %mul3A_2, %mul3A_55 : i32
        "tpu.region"() ({
          %run_scoped3A = tpu.sem_alloc : memref<!tpu.dma_semaphore, #tpu.memory_space<semaphore_mem>>
          %dma_start3A_60 = tpu.memref_slice %arg4[%add3A_56] : memref<327680xi32, #tpu.memory_space<hbm>> -> memref<128xi32, #tpu.memory_space<hbm>>
          %dma_start3A_61 = tpu.memref_slice %arg4[%add3A_56] : memref<327680xi32, #tpu.memory_space<hbm>> -> memref<128xi32, #tpu.memory_space<hbm>>
          tpu.enqueue_dma source(%dma_start3A_61 : memref<128xi32, #tpu.memory_space<hbm>>) target(%arg9 : memref<128xi32, #tpu.memory_space<vmem>>) target_semaphore(%run_scoped3A : memref<!tpu.dma_semaphore, #tpu.memory_space<semaphore_mem>>)
          %dma_wait3A_62 = tpu.memref_slice %arg4[%add3A_56] : memref<327680xi32, #tpu.memory_space<hbm>> -> memref<128xi32, #tpu.memory_space<hbm>>
          %dma_wait3A_63 = tpu.memref_slice %arg4[%add3A_56] : memref<327680xi32, #tpu.memory_space<hbm>> -> memref<128xi32, #tpu.memory_space<hbm>>
          tpu.wait_dma2 semaphore(%run_scoped3A : memref<!tpu.dma_semaphore, #tpu.memory_space<semaphore_mem>>) src(%dma_wait3A_63 : memref<128xi32, #tpu.memory_space<hbm>>) dst(%arg9 : memref<128xi32, #tpu.memory_space<vmem>>)
          tpu.yield
        }) : () -> ()
        %dma_start3A_57 = arith.constant 0 : i32
        %dma_start3A_58 = arith.constant 0 : i32
        %dma_start3A_59 = tpu.memref_slice %arg2[%dma_start3A_57, %dma_start3A_58] : memref<10240x128xf32, #tpu.memory_space<hbm>> -> memref<10240x128xf32, #tpu.memory_space<hbm>>
        tpu.enqueue_indirect_dma source(%dma_start3A_59 : memref<10240x128xf32, #tpu.memory_space<hbm>>) target(%arg12 : memref<128x128xf32, #tpu.memory_space<vmem>>) offsets(%arg8 : memref<128xi32, #tpu.memory_space<vmem>>) semaphore(%arg14 : memref<!tpu.dma_semaphore, #tpu.memory_space<semaphore_mem>>)
      } else {
      }
      %dma_wait3A_44 = arith.constant 0 : i32
      %dma_wait3A_45 = arith.constant 0 : i32
      %dma_wait3A_46 = tpu.memref_slice %arg2[%dma_wait3A_44, %dma_wait3A_45] : memref<10240x128xf32, #tpu.memory_space<hbm>> -> memref<10240x128xf32, #tpu.memory_space<hbm>>
      tpu.wait_indirect_dma semaphore(%arg15 : memref<!tpu.dma_semaphore, #tpu.memory_space<semaphore_mem>>) src(%dma_wait3A_46 : memref<10240x128xf32, #tpu.memory_space<hbm>>) dst(%arg13 : memref<128x128xf32, #tpu.memory_space<vmem>>)
      "tpu.region"() ({
        %run_scoped3A = tpu.sem_alloc : memref<!tpu.dma_semaphore, #tpu.memory_space<semaphore_mem>>
        %dma_start3A_47 = arith.constant 0 : i32
        %dma_start3A_48 = arith.constant 0 : i32
        %dma_start3A_49 = tpu.memref_slice %arg7[%dma_start3A_47, %dma_start3A_48] : memref<10240x128xf32, #tpu.memory_space<vmem_shared>> -> memref<10240x128xf32, #tpu.memory_space<vmem_shared>>
        tpu.enqueue_indirect_dma source(%arg13 : memref<128x128xf32, #tpu.memory_space<vmem>>) target(%dma_start3A_49 : memref<10240x128xf32, #tpu.memory_space<vmem_shared>>) offsets(%arg11 : memref<128xi32, #tpu.memory_space<vmem>>) semaphore(%run_scoped3A : memref<!tpu.dma_semaphore, #tpu.memory_space<semaphore_mem>>) {add = true}
        %dma_wait3A_50 = arith.constant 0 : i32
        %dma_wait3A_51 = arith.constant 0 : i32
        %dma_wait3A_52 = tpu.memref_slice %arg7[%dma_wait3A_50, %dma_wait3A_51] : memref<10240x128xf32, #tpu.memory_space<vmem_shared>> -> memref<10240x128xf32, #tpu.memory_space<vmem_shared>>
        tpu.wait_indirect_dma semaphore(%run_scoped3A : memref<!tpu.dma_semaphore, #tpu.memory_space<semaphore_mem>>) src(%arg13 : memref<128x128xf32, #tpu.memory_space<vmem>>) dst(%dma_wait3A_52 : memref<10240x128xf32, #tpu.memory_space<vmem_shared>>)
        tpu.yield
      }) : () -> ()
    }
    %scan3A_16 = arith.constant 40 : i32
    %barrier3A_17 = arith.constant 0 : index
    tpu.barrier barrier_id(%barrier3A_17)
    %mul3A_18 = arith.constant 640 : i32
    %mul3A_19 = arith.muli %arg1, %mul3A_18 : i32
    %mul3A_20 = arith.constant 640 : i32
    %mul3A_21 = arith.muli %arg1, %mul3A_20 : i32
    "tpu.region"() ({
      %run_scoped3A = tpu.sem_alloc : memref<!tpu.dma_semaphore, #tpu.memory_space<semaphore_mem>>
      %dma_start3A_22 = arith.constant 0 : i32
      %dma_start3A_23 = tpu.memref_slice %arg6[%arg0, %mul3A_21, %dma_start3A_22] : memref<2x10240x128xf32, #tpu.memory_space<hbm>> -> memref<1x640x128xf32, #tpu.memory_space<hbm>>
      %dma_start3A_24 = tpu.memref_squeeze %dma_start3A_23 : memref<1x640x128xf32, #tpu.memory_space<hbm>> -> memref<640x128xf32, #tpu.memory_space<hbm>>
      %dma_start3A_25 = arith.constant 0 : i32
      %dma_start3A_26 = tpu.memref_slice %arg7[%mul3A_19, %dma_start3A_25] : memref<10240x128xf32, #tpu.memory_space<vmem_shared>> -> memref<640x128xf32, #tpu.memory_space<vmem_shared>>
      tpu.enqueue_dma source(%dma_start3A_26 : memref<640x128xf32, #tpu.memory_space<vmem_shared>>) target(%dma_start3A_24 : memref<640x128xf32, #tpu.memory_space<hbm>>) target_semaphore(%run_scoped3A : memref<!tpu.dma_semaphore, #tpu.memory_space<semaphore_mem>>)
      %dma_wait3A = arith.constant 0 : i32
      %dma_wait3A_27 = tpu.memref_slice %arg6[%arg0, %mul3A_21, %dma_wait3A] : memref<2x10240x128xf32, #tpu.memory_space<hbm>> -> memref<1x640x128xf32, #tpu.memory_space<hbm>>
      %dma_wait3A_28 = tpu.memref_squeeze %dma_wait3A_27 : memref<1x640x128xf32, #tpu.memory_space<hbm>> -> memref<640x128xf32, #tpu.memory_space<hbm>>
      %dma_wait3A_29 = arith.constant 0 : i32
      %dma_wait3A_30 = tpu.memref_slice %arg7[%mul3A_19, %dma_wait3A_29] : memref<10240x128xf32, #tpu.memory_space<vmem_shared>> -> memref<640x128xf32, #tpu.memory_space<vmem_shared>>
      tpu.wait_dma2 semaphore(%run_scoped3A : memref<!tpu.dma_semaphore, #tpu.memory_space<semaphore_mem>>) src(%dma_wait3A_30 : memref<640x128xf32, #tpu.memory_space<vmem_shared>>) dst(%dma_wait3A_28 : memref<640x128xf32, #tpu.memory_space<hbm>>)
      tpu.yield
    }) : () -> ()
    return
  }
}

module attributes {stable_mosaic.version = 14 : i64} {
  func.func @_k1_body(%arg0: i32, %arg1: memref<32x256x1xf32, #tpu.memory_space<vmem>>, %arg2: memref<256x128xf32, #tpu.memory_space<vmem>>, %arg3: memref<128x128xf32, #tpu.memory_space<vmem>>, %arg4: memref<256x128xf32, #tpu.memory_space<vmem>>) attributes {dimension_semantics = [#tpu.dimension_semantics<arbitrary>], iteration_bounds = array<i64: 40>, scalar_prefetch = 0 : i64, scratch_operands = 0 : i64, tpu.core_type = #tpu.core_type<tc>, window_params = [{transform_indices = @transform_0, window_bounds = array<i64: 32, 256, 1>}, {transform_indices = @transform_1, window_bounds = array<i64: 256, 128>}, {pipeline_mode = #tpu.pipeline_mode<synchronous>, transform_indices = @transform_2, window_bounds = array<i64: 128, 128>}, {transform_indices = @transform_3, window_bounds = array<i64: 256, 128>}]} {
    %get3A = arith.constant 0 : index
    %get3A_0 = arith.constant 0 : index
    %get3A_1 = arith.constant 0 : index
    %get3A_2 = vector.load %arg1[%get3A, %get3A_0, %get3A_1] : memref<32x256x1xf32, #tpu.memory_space<vmem>>, vector<32x256x1xf32>
    %reduce_sum3A = arith.constant dense<0.000000e+00> : vector<256x1xf32>
    %reduce_sum3A_3 = vector.multi_reduction <add>, %get3A_2, %reduce_sum3A [0] : vector<32x256x1xf32> to vector<256x1xf32>
    %add3A = arith.constant 1.000000e+00 : f32
    %add3A_4 = vector.broadcast %add3A : f32 to vector<256x1xf32>
    %add3A_5 = arith.addf %reduce_sum3A_3, %add3A_4 : vector<256x1xf32>
    %rsqrt3A = math.rsqrt %add3A_5 : vector<256x1xf32>
    %get3A_6 = arith.constant 0 : index
    %get3A_7 = arith.constant 0 : index
    %get3A_8 = vector.load %arg2[%get3A_6, %get3A_7] : memref<256x128xf32, #tpu.memory_space<vmem>>, vector<256x128xf32>
    %get3A_9 = arith.constant 0 : index
    %get3A_10 = arith.constant 0 : index
    %get3A_11 = vector.load %arg3[%get3A_9, %get3A_10] : memref<128x128xf32, #tpu.memory_space<vmem>>, vector<128x128xf32>
    %dot_general3A = arith.constant dense<0.000000e+00> : vector<256x128xf32>
    %dot_general3A_12 = tpu.matmul %get3A_8, %get3A_11, %dot_general3A {dimension_numbers = #tpu.dot_dimension_numbers<[1], [0], [0], [1], [0, 0, 1, 1], [], []>, transpose_lhs_hint = false} : vector<256x128xf32>, vector<128x128xf32>, vector<256x128xf32> -> vector<256x128xf32>
    %mul3A = vector.broadcast %rsqrt3A : vector<256x1xf32> to vector<256x128xf32>
    %mul3A_13 = arith.mulf %mul3A, %dot_general3A_12 : vector<256x128xf32>
    %swap3A = arith.constant 0 : index
    %swap3A_14 = arith.constant 0 : index
    %swap3A_15 = vector.load %arg4[%swap3A, %swap3A_14] : memref<256x128xf32, #tpu.memory_space<vmem>>, vector<256x128xf32>
    tpu.vector_store %arg4[%swap3A, %swap3A_14], %mul3A_13 {strides = array<i32>} : memref<256x128xf32, #tpu.memory_space<vmem>>, vector<256x128xf32>,
    return
  }
  func.func @transform_0(%arg0: i32) -> (i32, i32, i32) {
    %c0_i32 = arith.constant 0 : i32
    %c0_i32_0 = arith.constant 0 : i32
    %c0_i32_1 = arith.constant 0 : i32
    return %c0_i32, %arg0, %c0_i32_0 : i32, i32, i32
  }
  func.func @transform_1(%arg0: i32) -> (i32, i32) {
    %c0_i32 = arith.constant 0 : i32
    %c0_i32_0 = arith.constant 0 : i32
    return %arg0, %c0_i32 : i32, i32
  }
  func.func @transform_2(%arg0: i32) -> (i32, i32) {
    %c0_i32 = arith.constant 0 : i32
    %c0_i32_0 = arith.constant 0 : i32
    %c0_i32_1 = arith.constant 0 : i32
    return %c0_i32, %c0_i32_0 : i32, i32
  }
  func.func @transform_3(%arg0: i32) -> (i32, i32) {
    %c0_i32 = arith.constant 0 : i32
    %c0_i32_0 = arith.constant 0 : i32
    return %arg0, %c0_i32 : i32, i32
  }
}

module attributes {stable_mosaic.version = 14 : i64} {
  func.func @_k2_body(%arg0: i32, %arg1: memref<32x256x1xf32, #tpu.memory_space<vmem>>, %arg2: memref<2x256x128xf32, #tpu.memory_space<vmem>>, %arg3: memref<256x128xf32, #tpu.memory_space<vmem>>, %arg4: memref<1x128xf32, #tpu.memory_space<vmem>>, %arg5: memref<128x128xf32, #tpu.memory_space<vmem>>, %arg6: memref<256x128xf32, #tpu.memory_space<vmem>>) attributes {dimension_semantics = [#tpu.dimension_semantics<arbitrary>], iteration_bounds = array<i64: 40>, scalar_prefetch = 0 : i64, scratch_operands = 0 : i64, tpu.core_type = #tpu.core_type<tc>, window_params = [{transform_indices = @transform_0, window_bounds = array<i64: 32, 256, 1>}, {transform_indices = @transform_1, window_bounds = array<i64: 2, 256, 128>}, {transform_indices = @transform_2, window_bounds = array<i64: 256, 128>}, {pipeline_mode = #tpu.pipeline_mode<synchronous>, transform_indices = @transform_3, window_bounds = array<i64: 1, 128>}, {pipeline_mode = #tpu.pipeline_mode<synchronous>, transform_indices = @transform_4, window_bounds = array<i64: 128, 128>}, {transform_indices = @transform_5, window_bounds = array<i64: 256, 128>}]} {
    %get3A = arith.constant 0 : index
    %get3A_0 = arith.constant 0 : index
    %get3A_1 = arith.constant 0 : index
    %get3A_2 = vector.load %arg1[%get3A, %get3A_0, %get3A_1] : memref<32x256x1xf32, #tpu.memory_space<vmem>>, vector<32x256x1xf32>
    %reduce_sum3A = arith.constant dense<0.000000e+00> : vector<256x1xf32>
    %reduce_sum3A_3 = vector.multi_reduction <add>, %get3A_2, %reduce_sum3A [0] : vector<32x256x1xf32> to vector<256x1xf32>
    %add3A = arith.constant 1.000000e+00 : f32
    %add3A_4 = vector.broadcast %add3A : f32 to vector<256x1xf32>
    %add3A_5 = arith.addf %reduce_sum3A_3, %add3A_4 : vector<256x1xf32>
    %rsqrt3A = math.rsqrt %add3A_5 : vector<256x1xf32>
    %get3A_6 = arith.constant 0 : index
    %get3A_7 = arith.constant 0 : index
    %get3A_8 = arith.constant 0 : index
    %get3A_9 = vector.load %arg2[%get3A_6, %get3A_7, %get3A_8] : memref<2x256x128xf32, #tpu.memory_space<vmem>>, vector<1x256x128xf32>
    %get3A_10 = vector.shape_cast %get3A_9 : vector<1x256x128xf32> to vector<256x128xf32>
    %get3A_11 = arith.constant 1 : index
    %get3A_12 = arith.constant 0 : index
    %get3A_13 = arith.constant 0 : index
    %get3A_14 = vector.load %arg2[%get3A_11, %get3A_12, %get3A_13] : memref<2x256x128xf32, #tpu.memory_space<vmem>>, vector<1x256x128xf32>
    %get3A_15 = vector.shape_cast %get3A_14 : vector<1x256x128xf32> to vector<256x128xf32>
    %add3A_16 = arith.addf %get3A_10, %get3A_15 : vector<256x128xf32>
    %get3A_17 = arith.constant 0 : index
    %get3A_18 = arith.constant 0 : index
    %get3A_19 = vector.load %arg3[%get3A_17, %get3A_18] : memref<256x128xf32, #tpu.memory_space<vmem>>, vector<256x128xf32>
    %add3A_20 = arith.addf %add3A_16, %get3A_19 : vector<256x128xf32>
    %mul3A = vector.broadcast %rsqrt3A : vector<256x1xf32> to vector<256x128xf32>
    %mul3A_21 = arith.mulf %mul3A, %add3A_20 : vector<256x128xf32>
    %get3A_22 = arith.constant 0 : index
    %get3A_23 = arith.constant 0 : index
    %get3A_24 = vector.load %arg4[%get3A_22, %get3A_23] : memref<1x128xf32, #tpu.memory_space<vmem>>, vector<1x128xf32>
    %add3A_25 = vector.broadcast %get3A_24 : vector<1x128xf32> to vector<256x128xf32>
    %add3A_26 = arith.addf %mul3A_21, %add3A_25 : vector<256x128xf32>
    %max3A = arith.constant 0.000000e+00 : f32
    %max3A_27 = vector.broadcast %max3A : f32 to vector<256x128xf32>
    %max3A_28 = arith.maximumf %add3A_26, %max3A_27 : vector<256x128xf32>
    %get3A_29 = arith.constant 0 : index
    %get3A_30 = arith.constant 0 : index
    %get3A_31 = vector.load %arg5[%get3A_29, %get3A_30] : memref<128x128xf32, #tpu.memory_space<vmem>>, vector<128x128xf32>
    %dot_general3A = arith.constant dense<0.000000e+00> : vector<256x128xf32>
    %dot_general3A_32 = tpu.matmul %max3A_28, %get3A_31, %dot_general3A {dimension_numbers = #tpu.dot_dimension_numbers<[1], [0], [0], [1], [0, 0, 1, 1], [], []>, transpose_lhs_hint = false} : vector<256x128xf32>, vector<128x128xf32>, vector<256x128xf32> -> vector<256x128xf32>
    %mul3A_33 = vector.broadcast %rsqrt3A : vector<256x1xf32> to vector<256x128xf32>
    %mul3A_34 = arith.mulf %mul3A_33, %dot_general3A_32 : vector<256x128xf32>
    %swap3A = arith.constant 0 : index
    %swap3A_35 = arith.constant 0 : index
    %swap3A_36 = vector.load %arg6[%swap3A, %swap3A_35] : memref<256x128xf32, #tpu.memory_space<vmem>>, vector<256x128xf32>
    tpu.vector_store %arg6[%swap3A, %swap3A_35], %mul3A_34 {strides = array<i32>} : memref<256x128xf32, #tpu.memory_space<vmem>>, vector<256x128xf32>,
    return
  }
  func.func @transform_0(%arg0: i32) -> (i32, i32, i32) {
    %c0_i32 = arith.constant 0 : i32
    %c0_i32_0 = arith.constant 0 : i32
    %c0_i32_1 = arith.constant 0 : i32
    return %c0_i32, %arg0, %c0_i32_0 : i32, i32, i32
  }
  func.func @transform_1(%arg0: i32) -> (i32, i32, i32) {
    %c0_i32 = arith.constant 0 : i32
    %c0_i32_0 = arith.constant 0 : i32
    %c0_i32_1 = arith.constant 0 : i32
    return %c0_i32, %arg0, %c0_i32_0 : i32, i32, i32
  }
  func.func @transform_2(%arg0: i32) -> (i32, i32) {
    %c0_i32 = arith.constant 0 : i32
    %c0_i32_0 = arith.constant 0 : i32
    return %arg0, %c0_i32 : i32, i32
  }
  func.func @transform_3(%arg0: i32) -> (i32, i32) {
    %c0_i32 = arith.constant 0 : i32
    %c0_i32_0 = arith.constant 0 : i32
    %c0_i32_1 = arith.constant 0 : i32
    return %c0_i32, %c0_i32_0 : i32, i32
  }
  func.func @transform_4(%arg0: i32) -> (i32, i32) {
    %c0_i32 = arith.constant 0 : i32
    %c0_i32_0 = arith.constant 0 : i32
    %c0_i32_1 = arith.constant 0 : i32
    return %c0_i32, %c0_i32_0 : i32, i32
  }
  func.func @transform_5(%arg0: i32) -> (i32, i32) {
    %c0_i32 = arith.constant 0 : i32
    %c0_i32_0 = arith.constant 0 : i32
    return %arg0, %c0_i32 : i32, i32
  }
}

module attributes {stable_mosaic.version = 14 : i64} {
  func.func @_k3_body(%arg0: i32, %arg1: memref<32x400x1xf32, #tpu.memory_space<vmem>>, %arg2: memref<2x400x128xf32, #tpu.memory_space<vmem>>, %arg3: memref<400x128xf32, #tpu.memory_space<vmem>>, %arg4: memref<1x128xf32, #tpu.memory_space<vmem>>, %arg5: memref<1x1x400xi32, #tpu.memory_space<vmem>>, %arg6: memref<64x128xf32, #tpu.memory_space<vmem>>, %arg7: memref<64x128xf32, #tpu.memory_space<vmem>>, %arg8: memref<64x128xf32, #tpu.memory_space<vmem>>) attributes {dimension_semantics = [#tpu.dimension_semantics<arbitrary>], iteration_bounds = array<i64: 25>, scalar_prefetch = 0 : i64, scratch_operands = 2 : i64, tpu.core_type = #tpu.core_type<tc>, window_params = [{transform_indices = @transform_0, window_bounds = array<i64: 32, 400, 1>}, {transform_indices = @transform_1, window_bounds = array<i64: 2, 400, 128>}, {transform_indices = @transform_2, window_bounds = array<i64: 400, 128>}, {pipeline_mode = #tpu.pipeline_mode<synchronous>, transform_indices = @transform_3, window_bounds = array<i64: 1, 128>}, {transform_indices = @transform_4, window_bounds = array<i64: 1, 1, 400>}, {pipeline_mode = #tpu.pipeline_mode<synchronous>, transform_indices = @transform_5, window_bounds = array<i64: 64, 128>}]} {
    %eq3A = arith.constant 0 : i32
    %eq3A_0 = arith.cmpi eq, %arg0, %eq3A : i32
    %convert_element_type3A = arith.extui %eq3A_0 : i1 to i32
    %cond3A = arith.constant 0 : i32
    %cond3A_1 = arith.cmpi ne, %convert_element_type3A, %cond3A : i32
    scf.if %cond3A_1 {
      %broadcast_in_dim3A_63 = arith.constant 0.000000e+00 : f32
      %broadcast_in_dim3A_64 = vector.broadcast %broadcast_in_dim3A_63 : f32 to vector<64x128xf32>
      %swap3A_65 = arith.constant 0 : index
      %swap3A_66 = arith.constant 0 : index
      %swap3A_67 = vector.load %arg7[%swap3A_65, %swap3A_66] : memref<64x128xf32, #tpu.memory_space<vmem>>, vector<64x128xf32>
      tpu.vector_store %arg7[%swap3A_65, %swap3A_66], %broadcast_in_dim3A_64 {strides = array<i32>} : memref<64x128xf32, #tpu.memory_space<vmem>>, vector<64x128xf32>,
      %broadcast_in_dim3A_68 = arith.constant 0.000000e+00 : f32
      %broadcast_in_dim3A_69 = vector.broadcast %broadcast_in_dim3A_68 : f32 to vector<64x128xf32>
      %swap3A_70 = arith.constant 0 : index
      %swap3A_71 = arith.constant 0 : index
      %swap3A_72 = vector.load %arg8[%swap3A_70, %swap3A_71] : memref<64x128xf32, #tpu.memory_space<vmem>>, vector<64x128xf32>
      tpu.vector_store %arg8[%swap3A_70, %swap3A_71], %broadcast_in_dim3A_69 {strides = array<i32>} : memref<64x128xf32, #tpu.memory_space<vmem>>, vector<64x128xf32>,
    } else {
    }
    %get3A = arith.constant 0 : index
    %get3A_2 = arith.constant 0 : index
    %get3A_3 = arith.constant 0 : index
    %get3A_4 = vector.load %arg1[%get3A, %get3A_2, %get3A_3] : memref<32x400x1xf32, #tpu.memory_space<vmem>>, vector<32x400x1xf32>
    %reduce_sum3A = arith.constant dense<0.000000e+00> : vector<400x1xf32>
    %reduce_sum3A_5 = vector.multi_reduction <add>, %get3A_4, %reduce_sum3A [0] : vector<32x400x1xf32> to vector<400x1xf32>
    %add3A = arith.constant 1.000000e+00 : f32
    %add3A_6 = vector.broadcast %add3A : f32 to vector<400x1xf32>
    %add3A_7 = arith.addf %reduce_sum3A_5, %add3A_6 : vector<400x1xf32>
    %rsqrt3A = math.rsqrt %add3A_7 : vector<400x1xf32>
    %get3A_8 = arith.constant 0 : index
    %get3A_9 = arith.constant 0 : index
    %get3A_10 = arith.constant 0 : index
    %get3A_11 = vector.load %arg2[%get3A_8, %get3A_9, %get3A_10] : memref<2x400x128xf32, #tpu.memory_space<vmem>>, vector<1x400x128xf32>
    %get3A_12 = vector.shape_cast %get3A_11 : vector<1x400x128xf32> to vector<400x128xf32>
    %get3A_13 = arith.constant 1 : index
    %get3A_14 = arith.constant 0 : index
    %get3A_15 = arith.constant 0 : index
    %get3A_16 = vector.load %arg2[%get3A_13, %get3A_14, %get3A_15] : memref<2x400x128xf32, #tpu.memory_space<vmem>>, vector<1x400x128xf32>
    %get3A_17 = vector.shape_cast %get3A_16 : vector<1x400x128xf32> to vector<400x128xf32>
    %add3A_18 = arith.addf %get3A_12, %get3A_17 : vector<400x128xf32>
    %get3A_19 = arith.constant 0 : index
    %get3A_20 = arith.constant 0 : index
    %get3A_21 = vector.load %arg3[%get3A_19, %get3A_20] : memref<400x128xf32, #tpu.memory_space<vmem>>, vector<400x128xf32>
    %add3A_22 = arith.addf %add3A_18, %get3A_21 : vector<400x128xf32>
    %mul3A = vector.broadcast %rsqrt3A : vector<400x1xf32> to vector<400x128xf32>
    %mul3A_23 = arith.mulf %mul3A, %add3A_22 : vector<400x128xf32>
    %get3A_24 = arith.constant 0 : index
    %get3A_25 = arith.constant 0 : index
    %get3A_26 = vector.load %arg4[%get3A_24, %get3A_25] : memref<1x128xf32, #tpu.memory_space<vmem>>, vector<1x128xf32>
    %add3A_27 = vector.broadcast %get3A_26 : vector<1x128xf32> to vector<400x128xf32>
    %add3A_28 = arith.addf %mul3A_23, %add3A_27 : vector<400x128xf32>
    %max3A = arith.constant 0.000000e+00 : f32
    %max3A_29 = vector.broadcast %max3A : f32 to vector<400x128xf32>
    %max3A_30 = arith.maximumf %add3A_28, %max3A_29 : vector<400x128xf32>
    %get3A_31 = arith.constant 0 : index
    %get3A_32 = arith.constant 0 : index
    %get3A_33 = arith.constant 0 : index
    %get3A_34 = vector.load %arg5[%get3A_31, %get3A_32, %get3A_33] : memref<1x1x400xi32, #tpu.memory_space<vmem>>, vector<1x1x400xi32>
    %get3A_35 = vector.shape_cast %get3A_34 : vector<1x1x400xi32> to vector<400xi32>
    %iota3A = tpu.iota {dimensions = array<i32: 1>} : vector<400x64xi32>
    %broadcast_in_dim3A = vector.shape_cast %get3A_35 : vector<400xi32> to vector<400x1xi32>
    %eq3A_36 = vector.broadcast %broadcast_in_dim3A : vector<400x1xi32> to vector<400x64xi32>
    %eq3A_37 = arith.cmpi eq, %eq3A_36, %iota3A : vector<400x64xi32>
    %convert_element_type3A_38 = arith.extui %eq3A_37 : vector<400x64xi1> to vector<400x64xi32>
    %convert_element_type3A_39 = arith.sitofp %convert_element_type3A_38 : vector<400x64xi32> to vector<400x64xf32>
    %get3A_40 = arith.constant 0 : index
    %get3A_41 = arith.constant 0 : index
    %get3A_42 = vector.load %arg7[%get3A_40, %get3A_41] : memref<64x128xf32, #tpu.memory_space<vmem>>, vector<64x128xf32>
    %dot_general3A = arith.constant dense<0.000000e+00> : vector<64x128xf32>
    %dot_general3A_43 = tpu.matmul %convert_element_type3A_39, %max3A_30, %dot_general3A {dimension_numbers = #tpu.dot_dimension_numbers<[0], [0], [1], [1], [0, 1, 1, 1], [], []>, transpose_lhs_hint = false} : vector<400x64xf32>, vector<400x128xf32>, vector<64x128xf32> -> vector<64x128xf32>
    %add3A_44 = arith.addf %get3A_42, %dot_general3A_43 : vector<64x128xf32>
    %swap3A = arith.constant 0 : index
    %swap3A_45 = arith.constant 0 : index
    %swap3A_46 = vector.load %arg7[%swap3A, %swap3A_45] : memref<64x128xf32, #tpu.memory_space<vmem>>, vector<64x128xf32>
    tpu.vector_store %arg7[%swap3A, %swap3A_45], %add3A_44 {strides = array<i32>} : memref<64x128xf32, #tpu.memory_space<vmem>>, vector<64x128xf32>,
    %get3A_47 = arith.constant 0 : index
    %get3A_48 = arith.constant 0 : index
    %get3A_49 = vector.load %arg8[%get3A_47, %get3A_48] : memref<64x128xf32, #tpu.memory_space<vmem>>, vector<64x128xf32>
    %broadcast_in_dim3A_50 = arith.constant 1.000000e+00 : f32
    %broadcast_in_dim3A_51 = vector.broadcast %broadcast_in_dim3A_50 : f32 to vector<400x128xf32>
    %dot_general3A_52 = arith.constant dense<0.000000e+00> : vector<64x128xf32>
    %dot_general3A_53 = tpu.matmul %convert_element_type3A_39, %broadcast_in_dim3A_51, %dot_general3A_52 {dimension_numbers = #tpu.dot_dimension_numbers<[0], [0], [1], [1], [0, 1, 1, 1], [], []>, transpose_lhs_hint = false} : vector<400x64xf32>, vector<400x128xf32>, vector<64x128xf32> -> vector<64x128xf32>
    %add3A_54 = arith.addf %get3A_49, %dot_general3A_53 : vector<64x128xf32>
    %swap3A_55 = arith.constant 0 : index
    %swap3A_56 = arith.constant 0 : index
    %swap3A_57 = vector.load %arg8[%swap3A_55, %swap3A_56] : memref<64x128xf32, #tpu.memory_space<vmem>>, vector<64x128xf32>
    tpu.vector_store %arg8[%swap3A_55, %swap3A_56], %add3A_54 {strides = array<i32>} : memref<64x128xf32, #tpu.memory_space<vmem>>, vector<64x128xf32>,
    %eq3A_58 = arith.constant 24 : i32
    %eq3A_59 = arith.cmpi eq, %arg0, %eq3A_58 : i32
    %convert_element_type3A_60 = arith.extui %eq3A_59 : i1 to i32
    %cond3A_61 = arith.constant 0 : i32
    %cond3A_62 = arith.cmpi ne, %convert_element_type3A_60, %cond3A_61 : i32
    scf.if %cond3A_62 {
      %get3A_63 = arith.constant 0 : index
      %get3A_64 = arith.constant 0 : index
      %get3A_65 = vector.load %arg7[%get3A_63, %get3A_64] : memref<64x128xf32, #tpu.memory_space<vmem>>, vector<64x128xf32>
      %get3A_66 = arith.constant 0 : index
      %get3A_67 = arith.constant 0 : index
      %get3A_68 = vector.load %arg8[%get3A_66, %get3A_67] : memref<64x128xf32, #tpu.memory_space<vmem>>, vector<64x128xf32>
      %max3A_69 = arith.constant 1.000000e+00 : f32
      %max3A_70 = vector.broadcast %max3A_69 : f32 to vector<64x128xf32>
      %max3A_71 = arith.maximumf %get3A_68, %max3A_70 : vector<64x128xf32>
      %div3A = arith.divf %get3A_65, %max3A_71 : vector<64x128xf32>
      %swap3A_72 = arith.constant 0 : index
      %swap3A_73 = arith.constant 0 : index
      %swap3A_74 = vector.load %arg6[%swap3A_72, %swap3A_73] : memref<64x128xf32, #tpu.memory_space<vmem>>, vector<64x128xf32>
      tpu.vector_store %arg6[%swap3A_72, %swap3A_73], %div3A {strides = array<i32>} : memref<64x128xf32, #tpu.memory_space<vmem>>, vector<64x128xf32>,
    } else {
    }
    return
  }
  func.func @transform_0(%arg0: i32) -> (i32, i32, i32) {
    %c0_i32 = arith.constant 0 : i32
    %c0_i32_0 = arith.constant 0 : i32
    %c0_i32_1 = arith.constant 0 : i32
    return %c0_i32, %arg0, %c0_i32_0 : i32, i32, i32
  }
  func.func @transform_1(%arg0: i32) -> (i32, i32, i32) {
    %c0_i32 = arith.constant 0 : i32
    %c0_i32_0 = arith.constant 0 : i32
    %c0_i32_1 = arith.constant 0 : i32
    return %c0_i32, %arg0, %c0_i32_0 : i32, i32, i32
  }
  func.func @transform_2(%arg0: i32) -> (i32, i32) {
    %c0_i32 = arith.constant 0 : i32
    %c0_i32_0 = arith.constant 0 : i32
    return %arg0, %c0_i32 : i32, i32
  }
  func.func @transform_3(%arg0: i32) -> (i32, i32) {
    %c0_i32 = arith.constant 0 : i32
    %c0_i32_0 = arith.constant 0 : i32
    %c0_i32_1 = arith.constant 0 : i32
    return %c0_i32, %c0_i32_0 : i32, i32
  }
  func.func @transform_4(%arg0: i32) -> (i32, i32, i32) {
    %c0_i32 = arith.constant 0 : i32
    %c0_i32_0 = arith.constant 0 : i32
    %c0_i32_1 = arith.constant 0 : i32
    return %arg0, %c0_i32, %c0_i32_0 : i32, i32, i32
  }
  func.func @transform_5(%arg0: i32) -> (i32, i32) {
    %c0_i32 = arith.constant 0 : i32
    %c0_i32_0 = arith.constant 0 : i32
    %c0_i32_1 = arith.constant 0 : i32
    return %c0_i32, %c0_i32_0 : i32, i32
  }
}

</mosaic_0001>

<sc_bundles>
// kernel: kernel.11.cloned.1.call-start
scs
__scs_entry_jumppad:
0x0: {  	(pc) =	sbr.rel $0x88, $3  }
0x1: {  	(tag) =	ssettag $0x0;
	lr =	simm.s32 $0x1  }
0x2: {  	[smem:$0x3F9A] =	sst lr;
	_ =	strace $0xD0000000  }
0x3: {  	_ = 	snop  }
0x4: {  	_ = 	snop  }
0x5: {  	_ = 	snop  }
0x6: {  	_ = 	snop  }
0x7: {  	_ = 	snop  }
__scs_overlays_trampoline_lowered:
0x8: {  	[smem:$0x3FA9] =	sst s0  }
0x9: {  	[smem:$0x3FAA] =	sst s1  }
0xa: {  	[smem:$0x3FAB] =	sst s2  }
0xb: {  	[smem:$0x3FAC] =	sst s3  }
0xc: {  	[smem:$0x3FAD] =	sst s4  }
0xd: {  	[smem:$0x3FAE] =	sst s5  }
0xe: {  	[smem:$0x3FAF] =	sst s6  }
0xf: {  	[smem:$0x3FB0] =	sst s7  }
0x10: {  	[smem:$0x3FB1] =	sst s8  }
0x11: {  	[smem:$0x3FB2] =	sst s9;
	s0 =	simm.s32 @!p0 $0x0  }
0x12: {  	s1 =	sld [smem:$0x3F98];
	s0 =	simm.s32 @p0 $0x1  }
0x13: {  	[smem:$0x3FB3] =	sst s0;
	s0 =	simm.s32 @!p1 $0x0  }
0x14: {  	s2 =	sld [smem:$0x3F97];
	s0 =	simm.s32 @p1 $0x1  }
0x15: {  	[smem:$0x3FB4] =	sst s0;
	s0 =	simm.s32 @!p2 $0x0  }
0x16: {  	s3 =	sld [smem:$0x3FDB];
	s0 =	simm.s32 @p2 $0x1  }
0x17: {  	s4 =	simm.s32 $0x1BF5;
	[smem:$0x3FB6] =	sst s0  }
0x18: {  	s0 =	sld [smem:$0x3F99];
	_ =	swait.ge [sflag:s4], $0x0  }
0x19: {  	s7 =	sld [smem:$0x3F9A]  }
0x1a: {  	s8 =	sadd.s32 $0xFFFFE003, lr  }
0x1b: {  	s9 =	sadd.s32 $0xFFFFFEF7, lr;
	s5 =	simm.s32 $0xFFFFFFFF;
	p2 =	slt.u32 s8, $0xFFFFF086  }
0x1c: {  	p1 =	slt.u32 s9, $0xF7A;
	s5 =	simm.s32 @!p2 $0x0  }
0x1d: {  	s5 =	simm.s32 @p1 $0x1;
	p0 =	seq.s32 s7, s2  }
0x1e: {  	s7 =	smul.u32 @!p0 $0xF7A, s2;
	p2 =	seq.s32 @!p0 s5, $0x0  }
0x1f: {  	s9 =	smul.u32 $0xF7A, s1;
	s8 =	simm.s32 @!p0 $0x1BF5;
	p2 =	por !p2, p0  }
0x20: {  	[sflag:s8] =	ssyncset.s32 @!p0 $0xFFFFF086;
	s6 =	sadd.s32 @!p0 s3, s7;
	s7 =	simm.s32 @!p0 $0x108  }
0x21: {  	s3 =	sadd.s32 s3, s9;
	s6 =	sadd.s32 @!p0 $0x88, s6;
	s7 =	simm.s32 @p2 $0x1082  }
0x22: {  	[simem:s7], [sflag:s8] =	dma.local @!p0 [hbm:s6], $0xF7A  }
0x23: {  	s9 =	sor.u32 $0xD0000000, s2;
	s6 =	simm.s32 $0x108;
	_ =	swait.ge @!p0 [sflag:s8], $0x0  }
0x24: {  	s3 =	sadd.s32 $0x88, s3;
	s6 =	simm.s32 @!p1 $0x1082;
	[sflag:s4] =	ssyncset.s32 $0xFFFFF086  }
0x25: {  	[simem:s6], [sflag:s4] =	dma.local [hbm:s3], $0xF7A  }
0x26: {  	[smem:$0x3F9A] =	sst s1;
	(tag) =	ssettag s2;
	_ =	strace s9  }
0x27: {  	s1 =	sld [smem:$0x3FAA]  }
0x28: {  	s2 =	sld [smem:$0x3FAB]  }
0x29: {  	s4 =	sld [smem:$0x3FAD]  }
0x2a: {  	p0 =	seq.s32 s5, $0x0;
	s5 =	sld [smem:$0x3FAE]  }
0x2b: {  	s6 =	sld [smem:$0x3FAF]  }
0x2c: {  	s7 =	sld [smem:$0x3FB0]  }
0x2d: {  	s3 =	simm.s32 $0x108;
	s8 =	sld [smem:$0x3FB1]  }
0x2e: {  	s3 =	simm.s32 @!p0 $0x1082;
	s9 =	sld [smem:$0x3FB2]  }
0x2f: {  	lr =	sadd.s32 s0, s3;
	s0 =	sld [smem:$0x3FA9]  }
0x30: {  	s3 =	sld [smem:$0x3FAC]  }
0x31: {  	[smem:$0x3FB5] =	sst s10  }
0x32: {  	s10 =	sld [smem:$0x3FB3];
	_ =	sdelay $0x3  }
0x33: {  	p0 =	seq.s32 s10, $0x1;
	s10 =	sld [smem:$0x3FB5];
	_ =	sdelay $0x3  }
0x34: {  	[smem:$0x3FB5] =	sst s10  }
0x35: {  	s10 =	sld [smem:$0x3FB4];
	_ =	sdelay $0x3  }
0x36: {  	p1 =	seq.s32 s10, $0x1;
	s10 =	sld [smem:$0x3FB5];
	_ =	sdelay $0x3  }
0x37: {  	[smem:$0x3FB5] =	sst s10  }
0x38: {  	s10 =	sld [smem:$0x3FB6]  }
0x39: {  	_ = 	snop;
	(pc) =	sbr.ind lr, $3  }
0x3a: {  	_ = 	snop  }
0x3b: {  	_ = 	snop  }
0x3c: {  	p2 =	seq.s32 s10, $0x1;
	s10 =	sld [smem:$0x3FB5]  }
0x3d: {  	_ =	shalt  }
0x3e: {  	_ =	shalt  }
0x3f: {  	_ =	shalt  }
0x40: {  	_ =	shalt  }
0x41: {  	_ =	shalt  }
0x42: {  	_ =	shalt  }
0x43: {  	_ =	shalt  }
0x44: {  	_ =	shalt  }
0x45: {  	_ =	shalt  }
0x46: {  	_ =	shalt  }
0x47: {  	_ =	shalt  }
0x48: {  	_ =	shalt  }
0x49: {  	_ =	shalt  }
0x4a: {  	_ =	shalt  }
0x4b: {  	_ =	shalt  }
0x4c: {  	_ =	shalt  }
0x4d: {  	_ =	shalt  }
0x4e: {  	_ =	shalt  }
0x4f: {  	_ =	shalt  }
0x50: {  	_ =	shalt  }
0x51: {  	_ =	shalt  }
0x52: {  	_ =	shalt  }
0x53: {  	_ =	shalt  }
0x54: {  	_ =	shalt  }
0x55: {  	_ =	shalt  }
0x56: {  	_ =	shalt  }
0x57: {  	_ =	shalt  }
0x58: {  	_ =	shalt  }
0x59: {  	_ =	shalt  }
0x5a: {  	_ =	shalt  }
0x5b: {  	_ =	shalt  }
0x5c: {  	_ =	shalt  }
0x5d: {  	_ =	shalt  }
0x5e: {  	_ =	shalt  }
0x5f: {  	_ =	shalt  }
0x60: {  	_ =	shalt  }
0x61: {  	_ =	shalt  }
0x62: {  	_ =	shalt  }
0x63: {  	_ =	shalt  }
0x64: {  	_ =	shalt  }
0x65: {  	_ =	shalt  }
0x66: {  	_ =	shalt  }
0x67: {  	_ =	shalt  }
0x68: {  	_ =	shalt  }
0x69: {  	_ =	shalt  }
0x6a: {  	_ =	shalt  }
0x6b: {  	_ =	shalt  }
0x6c: {  	_ =	shalt  }
0x6d: {  	_ =	shalt  }
0x6e: {  	_ =	shalt  }
0x6f: {  	_ =	shalt  }
0x70: {  	_ =	shalt  }
0x71: {  	_ =	shalt  }
0x72: {  	_ =	shalt  }
0x73: {  	_ =	shalt  }
0x74: {  	_ =	shalt  }
0x75: {  	_ =	shalt  }
0x76: {  	_ =	shalt  }
0x77: {  	_ =	shalt  }
0x78: {  	_ =	shalt  }
0x79: {  	_ =	shalt  }
0x7a: {  	_ =	shalt  }
0x7b: {  	_ =	shalt  }
0x7c: {  	_ =	shalt  }
0x7d: {  	_ =	shalt  }
0x7e: {  	_ =	shalt  }
0x7f: {  	_ =	shalt  }
0x80: {  	_ =	shalt  }
0x81: {  	_ =	shalt  }
0x82: {  	_ =	shalt  }
0x83: {  	_ =	shalt  }
0x84: {  	_ =	shalt  }
0x85: {  	_ =	shalt  }
0x86: {  	_ =	shalt  }
0x87: {  	_ =	shalt  }
.Lfunc_end0:
.L_simem_size_0:
called_computation.1_lowered:
.L_overlay_start_0:
0x88: {  	s2 =	sld [smem:$0x3FD9]  }
0x89: {  	s3 =	sld [smem:$0x3FFE];
	_ =	sdelay $0x1  }
0x8a: {  	s1 =	srdreg.scid  }
0x8b: {  	s0 =	sand.u32 $0x1, s1  }
0x8c: {  	s16 =	sshll.u32 s0, $0xA;
	s2 =	sadd.s32 s3, s2  }
0x8d: {  	s2 =	sadd.s32 s2, s16  }
0x8e: {  	[smem:$0x3FC1] =	sst s2  }
0x8f: {  	_ = 	snop  }
0x90: {  	(tm) =	ssettm $0x1  }
0x91: {  	s17 =	sld [smem:$0x3FFB];
	_ =	sdelay $0x3  }
0x92: {  	_ =	strace s17  }
0x93: {  	s2 =	sld [smem:$0x3FFC];
	_ =	sdelay $0x3  }
0x94: {  	_ =	strace s2  }
0x95: {  	s2 =	sld [smem:$0x3FFD];
	_ =	sdelay $0x3  }
0x96: {  	_ =	strace s2  }
0x97: {  	_ =	strace $0x8FFFFFFF  }
0x98: {  	s18 =	sld [smem:$0x3FDB];
	_ =	sdelay $0x1  }
0x99: {  	s19 =	simm.s32 $_scs_section_size  }
0x9a: {  	s4 =	simm.s32 $_size__tile_overlayer_lowered;
	s5 =	simm.s32 $_tile_overlayer_lowered  }
0x9b: {  	s22 =	simm.s32 $0x1BFF;
	s21 =	sshll.u32 s5, $0x1;
	s2 =	sadd.s32 s19, s18  }
0x9c: {  	s6 =	simm.s32 $0x0;
	s20 =	sshll.u32 s4, $0x1;
	s4 =	sadd.s32 s21, s2  }
0x9d: {  	[timem:s6], [sflag:s22] =	dma.local [hbm:s4], s20  }
0x9e: {  	_ =	swait.ge [sflag:s22], s20  }
0x9f: {  	s3 =	ssub.s32 $0x0, s20;
	[sflag:s22] =	ssyncset.done $0x0  }
0xa0: {  	[sflag:s22] =	ssyncadd.s32 s3;
	_ =	sdelay $0x1  }
0xa1: {  	s23 =	simm.s32 $0x1B8B  }
0xa2: {  	_ =	swait.ge [sflag:s23], $0x1  }
0xa3: {  	[sflag:s23] =	ssyncset.done $0x0  }
0xa4: {  	s25 =	simm.s32 $0x1B8E;
	s24 =	sld [smem:$0x3FFE];
	[sflag:s23] =	ssyncadd.s32 $0xFFFFFFFF  }
0xa5: {  	s26 =	simm.s32 $execute0_lowered;
	[smem:$0x3FD2] =	sst s25  }
0xa6: {  	s4 =	sshll.u32 s26, $0x1;
	_ =	strace $0x80000049;
	[dreg:$0x1] =	wrdreg $0xFFFFFFFF  }
0xa7: {  	s28 =	simm.s32 $_size_execute0_lowered;
	s2 =	sadd.s32 s2, s4;
	[dreg:$0x0] =	wrdreg $0x0  }
0xa8: {  	s4 =	sshll.u32 s28, $0x1;
	[dreg:$0x2] =	wrdreg s2  }
0xa9: {  	[dreg:$0x3] =	wrdreg s4  }
0xaa: {  	[dreg:$0x4] =	wrdreg $0xC0  }
0xab: {  	_ =	task [dreg:s6], $0x5FFFF  }
0xac: {  	[dreg:$0x1] =	wrdreg $0xFFFFFFFF  }
0xad: {  	[dreg:$0x0] =	wrdreg $0x60  }
0xae: {  	[dreg:$0x2] =	wrdreg s24  }
0xaf: {  	[dreg:$0x3] =	wrdreg $0x0  }
0xb0: {  	[dreg:$0x4] =	wrdreg $0x9  }
0xb1: {  	_ =	task.clear_ibuf [dreg:s6], $0x5FFFF;
	_ =	strace $0x90000049  }
0xb2: {  	s29 =	simm.s32 $0x9;
	_ =	strace $0x8000004B  }
0xb3: {  	_ =	swait.ge [sflag:s29], $0x1  }
0xb4: {  	[sflag:s29] =	ssyncadd.s32 $0xFFFFFFFF  }
0xb5: {  	_ =	strace $0x9000004B  }
0xb6: {  	_ =	sfence  }
0xb7: {  	s30 =	sld [smem:$0x0];
	_ =	sdelay $0x2  }
0xb8: {  	s31 =	sshll.u32 s1, $0xD;
	s1 =	sshrl.u32 s1, $0x2  }
0xb9: {  	s3 =	sand.u32 $0x4000, s31;
	s1 =	sadd.s32 s1, s30  }
0xba: {  	s0 =	sor.u32 s3, s0;
	s1 =	sshll.u32 s1, $0x11  }
0xbb: {  	s0 =	sor.u32 s1, s0  }
0xbc: {  	s0 =	sadd.s32 $0x8F2B, s0  }
0xbd: {  	[sflag:s0] =	ssyncadd.remote.s32 $0x1  }
0xbe: {  	_ =	sfence.sel $0xFFFF  }
0xbf: {  	[dreg:$0x0] =	wrdreg $0xFFFFFFFF;
	(pc) =	sbr.abs _section_cstart, $3  }
0xc0: {  	[dreg:$0x1] =	wrdreg $0xFFFFFFFF  }
0xc1: {  	_ =	task.clear_ibuf [dreg:s6], $0x2FFFF;
	_ =	strace $0x9FFFFFFF  }
0xc2: {  	(tm) =	ssettm $0x7FFFFFFF  }
0xc3: {  	_ =	shalt  }
tec
execute0_lowered:
.L_overlay_start_1:
0x0: {  	(tag) =	ssettag $0x1  }
0x1: {  	s0 =	rddreg [dreg:$0x0]  }
0x2: {  	s2 =	rddreg [dreg:$0x1]  }
0x3: {  	s3 =	simm.s32 $0x0;
	s1 =	stileid.u32;
	s4 =	srdreg.scid  }
0x4: {  	s18 =	simm.s32 $0x3;
	s19 =	simm.s32 $0x14000;
	s20 =	simm.s32 $0x14080  }
0x5: {  	s21 =	simm.s32 $0x80;
	s22 =	simm.s32 $0x14200;
	s23 =	simm.s32 $0x14100  }
0x6: {  	s28 =	simm.s32 $0x2;
	s29 =	simm.s32 $0x0;
	[smem:$0x7FF] =	sst s3  }
0x7: {  	s5 =	smul.u32 $0x14000, s1;
	s6 =	sand.u32 $0x1, s4;
	s4 =	sadd.s32 $0x520400, s0  }
0x8: {  	s16 =	sadd.s32 $0xC400, s0;
	s15 =	sadd.s32 $0x2400, s0;
	s9 =	smul.u32 $0x50000, s1  }
0x9: {  	s24 =	sshll.u32 s1, $0x1;
	s11 =	smul.u32 $0x5000, s1;
	s26 =	sshll.u32 s1, $0x6  }
0xa: {  	_ =	strace $0x8000004A;
	s7 =	smul.u32 $0x140000, s6;
	s25 =	ssub.s32 $0x2, s6  }
0xb: {  	s13 =	smul.u32 $0x2800, s6;
	s8 =	sshrl.u32 s5, $0x3;
	s10 =	sshrl.u32 s25, $0x1  }
0xc: {  	s9 =	sshrl.u32 s9, $0x2;
	s8 =	sadd.s32 s8, s0;
	s5 =	sadd.s32 s5, s7  }
0xd: {  	s7 =	sor.u32 s6, s24;
	s10 =	ssub.s32 s25, s10;
	s17 =	sadd.s32 s9, s2  }
0xe: {  	s6 =	sor.u32 $0x1C03, s26;
	s31 =	sadd.s32 s13, s11;
	s24 =	simm.s32 $0x14180  }
0xf: {  	s25 =	simm.s32 $0x18200;
	s26 =	simm.s32 $0x1;
	s5 =	sshrl.u32 s5, $0x3  }
0x10: {  	s7 =	smul.u32 $0x2800, s7;
	s30 =	sadd.s32 $0x548400, s8;
	s10 =	smax.u32 s10, $0x1  }
0x11: {  	s13 =	sor.u32 $0x100, s31;
	s17 =	sshrl.u32 s17, $0x3;
	s0 =	sadd.s32 s5, s0  }
0x12: {  	[dreg:$0x3] =	wrdreg s30;
	s14 =	sshrl.u32 s13, $0x3;
	s12 =	sshrl.u32 s7, $0x3  }
0x13: {  	s9 =	sadd.s32 $0x570400, s0;
	s0 =	sor.u32 $0x80, s31;
	s13 =	sadd.s32 s14, s15  }
0x14: {  	s7 =	sadd.s32 s16, s12;
	s8 =	sadd.s32 s15, s12;
	s12 =	sadd.s32 $0x4F0, s12  }
0x15: {  	s14 =	sadd.s32 s14, s16;
	s0 =	sshrl.u32 s0, $0x3;
	s11 =	sadd.s32 s16, s12  }
0x16: {  	s12 =	sadd.s32 s15, s12;
	s15 =	sadd.s32 s0, s15;
	s16 =	sadd.s32 s0, s16  }
.LBB2_1:
0x17: {  	s0 =	rddreg [dreg:$0x3]  }
0x18: {  	[spmem:s17], [sflag:s6] =	dma.local [hbm:s0], $0x2800  }
0x19: {  	_ =	swait.ge [sflag:s18], $0x2800  }
0x1a: {  	[sflag:s18] =	ssyncset.done $0x0  }
0x1b: {  	[sflag:s18] =	ssyncadd.s32 $0xFFFFD800  }
0x1c: {  	[bflag:$0x0] =	sbarrier.arrive $0xFFFF  }
0x1d: {  	[tilespmem:s19], [sflag:$0x3] =	stream.linear.gather [hbm4b:s7+s3], $0x80, $0x38;
	[tilespmem:$0x1C200] =	vst v63  }
0x1e: {  	_ =	swait.ge [sflag:s18], $0x80  }
0x1f: {  	[sflag:s18] =	ssyncset.done $0x0  }
0x20: {  	[sflag:s18] =	ssyncadd.s32 $0xFFFFFF80  }
0x21: {  	[tilespmem:s20], [sflag:$0x3] =	stream.linear.gather [hbm4b:s8+s3], $0x80, $0x38;
	[tilespmem:$0x1C200] =	vst v63  }
0x22: {  	_ =	swait.ge [sflag:s18], $0x80  }
0x23: {  	[sflag:s18] =	ssyncset.done $0x0  }
0x24: {  	[sflag:s18] =	ssyncadd.s32 $0xFFFFFF80  }
0x25: {  	[tilespmem:s22], [sflag:$0x1] =	stream.indirect.gather [hbm4b:s4+s21], $0x80, s19, s21, $0xb8;
	[tilespmem:$0x1C200] =	vst v63  }
0x26: {  	s1 =	sadd.s32 $0x0, s16  }
0x27: {  	[tilespmem:s23], [sflag:$0x3] =	stream.linear.gather [hbm4b:s1+s3], $0x80, $0x38;
	[tilespmem:$0x1C200] =	vst v63  }
0x28: {  	_ =	swait.ge [sflag:s18], $0x80  }
0x29: {  	[sflag:s18] =	ssyncset.done $0x0  }
0x2a: {  	s5 =	sadd.s32 $0x0, s15;
	[sflag:s18] =	ssyncadd.s32 $0xFFFFFF80  }
0x2b: {  	[tilespmem:s24], [sflag:$0x3] =	stream.linear.gather [hbm4b:s5+s3], $0x80, $0x38;
	[tilespmem:$0x1C200] =	vst v63  }
0x2c: {  	_ =	swait.ge [sflag:s18], $0x80  }
0x2d: {  	[sflag:s18] =	ssyncset.done $0x0  }
0x2e: {  	[sflag:s18] =	ssyncadd.s32 $0xFFFFFF80  }
0x2f: {  	[tilespmem:s25], [sflag:$0x2] =	stream.indirect.gather [hbm4b:s4+s21], $0x80, s23, s21, $0xb8;
	[tilespmem:$0x1C200] =	vst v63  }
0x30: {  	_ =	swait.ge [sflag:s26], $0x4000  }
0x31: {  	[sflag:s26] =	ssyncset.done $0x0  }
0x32: {  	[sflag:s26] =	ssyncadd.s32 $0xFFFFC000  }
0x33: {  	[spmem:s2] =	stream.indirect.scatter.add.f32 [tilespmem:s22], [sflag:$0x3], $0x80, s20, s21, $0xb8;
	[tilespmem:$0x1C200] =	vst v63  }
0x34: {  	_ =	swait.ge [sflag:s18], $0x4000  }
0x35: {  	[sflag:s18] =	ssyncset.done $0x0  }
0x36: {  	s1 =	sadd.s32 $0x0, s14;
	[sflag:s18] =	ssyncadd.s32 $0xFFFFC000  }
0x37: {  	[tilespmem:s19], [sflag:$0x3] =	stream.linear.gather [hbm4b:s1+s3], $0x80, $0x38;
	[tilespmem:$0x1C200] =	vst v63  }
0x38: {  	_ =	swait.ge [sflag:s18], $0x80  }
0x39: {  	[sflag:s18] =	ssyncset.done $0x0  }
0x3a: {  	s5 =	sadd.s32 $0x0, s13;
	[sflag:s18] =	ssyncadd.s32 $0xFFFFFF80  }
0x3b: {  	[tilespmem:s20], [sflag:$0x3] =	stream.linear.gather [hbm4b:s5+s3], $0x80, $0x38;
	[tilespmem:$0x1C200] =	vst v63  }
0x3c: {  	_ =	swait.ge [sflag:s18], $0x80  }
0x3d: {  	[sflag:s18] =	ssyncset.done $0x0  }
0x3e: {  	[sflag:s18] =	ssyncadd.s32 $0xFFFFFF80  }
0x3f: {  	[tilespmem:s22], [sflag:$0x1] =	stream.indirect.gather [hbm4b:s4+s21], $0x80, s19, s21, $0xb8;
	[tilespmem:$0x1C200] =	vst v63  }
0x40: {  	_ =	swait.ge [sflag:s28], $0x4000  }
0x41: {  	[sflag:s28] =	ssyncset.done $0x0  }
0x42: {  	[sflag:s28] =	ssyncadd.s32 $0xFFFFC000  }
0x43: {  	[spmem:s2] =	stream.indirect.scatter.add.f32 [tilespmem:s25], [sflag:$0x3], $0x80, s24, s21, $0xb8;
	[tilespmem:$0x1C200] =	vst v63  }
0x44: {  	_ =	swait.ge [sflag:s18], $0x4000  }
0x45: {  	s30 =	simm.s32 $0x20;
	s31 =	simm.s32 $0x40;
	[sflag:s18] =	ssyncset.done $0x0  }
.LBB2_2:
0x46: {  	s1 =	sadd.s32 s30, s16  }
0x47: {  	[sflag:s18] =	ssyncadd.s32 $0xFFFFC000;
	s5 =	smov.u32 s31;
	s0 =	sadd.s32 $0x20, s31  }
0x48: {  	[tilespmem:s23], [sflag:$0x3] =	stream.linear.gather [hbm4b:s1+s3], $0x80, $0x38;
	[tilespmem:$0x1C200] =	vst v63  }
0x49: {  	p0 =	sne.s32 s31, $0x4C0;
	_ =	swait.ge [sflag:s18], $0x80  }
0x4a: {  	[sflag:s18] =	ssyncset.done $0x0  }
0x4b: {  	s1 =	sadd.s32 s30, s15;
	[sflag:s18] =	ssyncadd.s32 $0xFFFFFF80  }
0x4c: {  	[tilespmem:s24], [sflag:$0x3] =	stream.linear.gather [hbm4b:s1+s3], $0x80, $0x38;
	[tilespmem:$0x1C200] =	vst v63  }
0x4d: {  	_ =	swait.ge [sflag:s18], $0x80  }
0x4e: {  	[sflag:s18] =	ssyncset.done $0x0  }
0x4f: {  	[sflag:s18] =	ssyncadd.s32 $0xFFFFFF80  }
0x50: {  	[tilespmem:s25], [sflag:$0x2] =	stream.indirect.gather [hbm4b:s4+s21], $0x80, s23, s21, $0xb8;
	[tilespmem:$0x1C200] =	vst v63  }
0x51: {  	_ =	swait.ge [sflag:s26], $0x4000  }
0x52: {  	[sflag:s26] =	ssyncset.done $0x0  }
0x53: {  	[sflag:s26] =	ssyncadd.s32 $0xFFFFC000  }
0x54: {  	[spmem:s2] =	stream.indirect.scatter.add.f32 [tilespmem:s22], [sflag:$0x3], $0x80, s20, s21, $0xb8;
	[tilespmem:$0x1C200] =	vst v63  }
0x55: {  	_ =	swait.ge [sflag:s18], $0x4000  }
0x56: {  	[sflag:s18] =	ssyncset.done $0x0  }
0x57: {  	s1 =	sadd.s32 s30, s14;
	[sflag:s18] =	ssyncadd.s32 $0xFFFFC000  }
0x58: {  	[tilespmem:s19], [sflag:$0x3] =	stream.linear.gather [hbm4b:s1+s3], $0x80, $0x38;
	[tilespmem:$0x1C200] =	vst v63  }
0x59: {  	_ =	swait.ge [sflag:s18], $0x80  }
0x5a: {  	[sflag:s18] =	ssyncset.done $0x0  }
0x5b: {  	s1 =	sadd.s32 s30, s13;
	s30 =	smov.u32 s5;
	[sflag:s18] =	ssyncadd.s32 $0xFFFFFF80  }
0x5c: {  	[tilespmem:s20], [sflag:$0x3] =	stream.linear.gather [hbm4b:s1+s3], $0x80, $0x38;
	[tilespmem:$0x1C200] =	vst v63  }
0x5d: {  	_ =	swait.ge [sflag:s18], $0x80  }
0x5e: {  	[sflag:s18] =	ssyncset.done $0x0  }
0x5f: {  	[sflag:s18] =	ssyncadd.s32 $0xFFFFFF80  }
0x60: {  	[tilespmem:s22], [sflag:$0x1] =	stream.indirect.gather [hbm4b:s4+s21], $0x80, s19, s21, $0xb8;
	[tilespmem:$0x1C200] =	vst v63  }
0x61: {  	_ =	swait.ge [sflag:s28], $0x4000  }
.Ltmp0:
0x62: {  	[sflag:s28] =	ssyncset.done $0x0;
	(pc) =	sbr.rel @p0 .LBB2_2-.Ltmp0, $4  }
0x63: {  	[sflag:s28] =	ssyncadd.s32 $0xFFFFC000  }
0x64: {  	[spmem:s2] =	stream.indirect.scatter.add.f32 [tilespmem:s25], [sflag:$0x3], $0x80, s24, s21, $0xb8;
	[tilespmem:$0x1C200] =	vst v63  }
0x65: {  	_ =	swait.ge [sflag:s18], $0x4000  }
0x66: {  	s31 =	smov.u32 s0;
	[sflag:s18] =	ssyncset.done $0x0  }
0x67: {  	s0 =	sadd.s32 s30, s16;
	[sflag:s18] =	ssyncadd.s32 $0xFFFFC000  }
0x68: {  	[tilespmem:s23], [sflag:$0x3] =	stream.linear.gather [hbm4b:s0+s3], $0x80, $0x38;
	[tilespmem:$0x1C200] =	vst v63  }
0x69: {  	_ =	swait.ge [sflag:s18], $0x80  }
0x6a: {  	[sflag:s18] =	ssyncset.done $0x0  }
0x6b: {  	s1 =	sadd.s32 s30, s15;
	[sflag:s18] =	ssyncadd.s32 $0xFFFFFF80  }
0x6c: {  	[tilespmem:s24], [sflag:$0x3] =	stream.linear.gather [hbm4b:s1+s3], $0x80, $0x38;
	[tilespmem:$0x1C200] =	vst v63  }
0x6d: {  	_ =	swait.ge [sflag:s18], $0x80  }
0x6e: {  	[sflag:s18] =	ssyncset.done $0x0  }
0x6f: {  	[sflag:s18] =	ssyncadd.s32 $0xFFFFFF80  }
0x70: {  	[tilespmem:s25], [sflag:$0x2] =	stream.indirect.gather [hbm4b:s4+s21], $0x80, s23, s21, $0xb8;
	[tilespmem:$0x1C200] =	vst v63  }
0x71: {  	_ =	swait.ge [sflag:s26], $0x4000  }
0x72: {  	[sflag:s26] =	ssyncset.done $0x0  }
0x73: {  	[sflag:s26] =	ssyncadd.s32 $0xFFFFC000  }
0x74: {  	[spmem:s2] =	stream.indirect.scatter.add.f32 [tilespmem:s22], [sflag:$0x3], $0x80, s20, s21, $0xb8;
	[tilespmem:$0x1C200] =	vst v63  }
0x75: {  	_ =	swait.ge [sflag:s18], $0x4000  }
0x76: {  	[sflag:s18] =	ssyncset.done $0x0  }
0x77: {  	s5 =	sadd.s32 s30, s14;
	[sflag:s18] =	ssyncadd.s32 $0xFFFFC000  }
0x78: {  	[tilespmem:s19], [sflag:$0x3] =	stream.linear.gather [hbm4b:s5+s3], $0x80, $0x38;
	[tilespmem:$0x1C200] =	vst v63  }
0x79: {  	_ =	swait.ge [sflag:s18], $0x80  }
0x7a: {  	[sflag:s18] =	ssyncset.done $0x0  }
0x7b: {  	s31 =	sadd.s32 s30, s13;
	[sflag:s18] =	ssyncadd.s32 $0xFFFFFF80  }
0x7c: {  	[tilespmem:s20], [sflag:$0x3] =	stream.linear.gather [hbm4b:s31+s3], $0x80, $0x38;
	[tilespmem:$0x1C200] =	vst v63  }
0x7d: {  	_ =	swait.ge [sflag:s18], $0x80  }
0x7e: {  	[sflag:s18] =	ssyncset.done $0x0  }
0x7f: {  	[sflag:s18] =	ssyncadd.s32 $0xFFFFFF80  }
0x80: {  	[tilespmem:s22], [sflag:$0x1] =	stream.indirect.gather [hbm4b:s4+s21], $0x80, s19, s21, $0xb8;
	[tilespmem:$0x1C200] =	vst v63  }
0x81: {  	_ =	swait.ge [sflag:s28], $0x4000  }
0x82: {  	[sflag:s28] =	ssyncset.done $0x0  }
0x83: {  	[sflag:s28] =	ssyncadd.s32 $0xFFFFC000  }
0x84: {  	[spmem:s2] =	stream.indirect.scatter.add.f32 [tilespmem:s25], [sflag:$0x3], $0x80, s24, s21, $0xb8;
	[tilespmem:$0x1C200] =	vst v63  }
0x85: {  	_ =	swait.ge [sflag:s18], $0x4000  }
0x86: {  	[sflag:s18] =	ssyncset.done $0x0  }
0x87: {  	[sflag:s18] =	ssyncadd.s32 $0xFFFFC000  }
0x88: {  	[tilespmem:s23], [sflag:$0x3] =	stream.linear.gather [hbm4b:s11+s3], $0x80, $0x38;
	[tilespmem:$0x1C200] =	vst v63  }
0x89: {  	_ =	swait.ge [sflag:s18], $0x80  }
0x8a: {  	[sflag:s18] =	ssyncset.done $0x0  }
0x8b: {  	[sflag:s18] =	ssyncadd.s32 $0xFFFFFF80  }
0x8c: {  	[tilespmem:s24], [sflag:$0x3] =	stream.linear.gather [hbm4b:s12+s3], $0x80, $0x38;
	[tilespmem:$0x1C200] =	vst v63  }
0x8d: {  	_ =	swait.ge [sflag:s18], $0x80  }
0x8e: {  	[sflag:s18] =	ssyncset.done $0x0  }
0x8f: {  	[sflag:s18] =	ssyncadd.s32 $0xFFFFFF80  }
0x90: {  	[tilespmem:s25], [sflag:$0x2] =	stream.indirect.gather [hbm4b:s4+s21], $0x80, s23, s21, $0xb8;
	[tilespmem:$0x1C200] =	vst v63  }
0x91: {  	_ =	swait.ge [sflag:s26], $0x4000  }
0x92: {  	[sflag:s26] =	ssyncset.done $0x0  }
0x93: {  	[sflag:s26] =	ssyncadd.s32 $0xFFFFC000  }
0x94: {  	[spmem:s2] =	stream.indirect.scatter.add.f32 [tilespmem:s22], [sflag:$0x3], $0x80, s20, s21, $0xb8;
	[tilespmem:$0x1C200] =	vst v63  }
0x95: {  	_ =	swait.ge [sflag:s18], $0x4000  }
0x96: {  	[sflag:s18] =	ssyncset.done $0x0  }
0x97: {  	[sflag:s18] =	ssyncadd.s32 $0xFFFFC000  }
0x98: {  	_ =	swait.ge [sflag:s28], $0x4000  }
0x99: {  	[sflag:s28] =	ssyncset.done $0x0  }
0x9a: {  	[sflag:s28] =	ssyncadd.s32 $0xFFFFC000  }
0x9b: {  	[spmem:s2] =	stream.indirect.scatter.add.f32 [tilespmem:s25], [sflag:$0x3], $0x80, s24, s21, $0xb8;
	[tilespmem:$0x1C200] =	vst v63  }
0x9c: {  	_ =	swait.ge [sflag:s18], $0x4000  }
0x9d: {  	s29 =	sadd.s32 $0x1, s29;
	[sflag:s18] =	ssyncset.done $0x0  }
0x9e: {  	p0 =	sne.s32 s29, s10;
	[sflag:s18] =	ssyncadd.s32 $0xFFFFC000  }
.Ltmp1:
0x9f: {  	[bflag:$0x0] =	sbarrier.arrive $0xFFFF;
	(pc) =	sbr.rel @p0 .LBB2_1-.Ltmp1, $4  }
0xa0: {  	[hbm:s9], [sflag:s6] =	dma.local [spmem:s17], $0x2800  }
0xa1: {  	_ =	swait.ge [sflag:s18], $0x2800  }
0xa2: {  	[sflag:s18] =	ssyncset.done $0x0  }
0xa3: {  	[sflag:s18] =	ssyncadd.s32 $0xFFFFD800  }
0xa4: {  	_ =	sfence.sel $0x180000  }
0xa5: {  	[bflag:$0x0] =	sbarrier.arrive $0xFFFF  }
0xa6: {  	_ =	strace $0x9000004A  }
0xa7: {  	s0 =	stileid.u32;
	[bflag:$0x2] =	sbarrier.arrive $0xFFFF  }
0xa8: {  	p0 =	sne.s32 s0, $0x0;
	s0 =	rddreg [dreg:$0x2]  }
0xa9: {  	s0 =	sadd.s32 @!p0 $0x100000, s0  }
0xaa: {  	[sflag:s0] =	ssyncadd.tile.s32 @!p0 $0x1;
	_ =	shalt  }
.Lfunc_end2:
_tile_overlayer_lowered:
.L_overlay_start_2:
0xab: {  	(tag) =	ssettag $0x2  }
0xac: {  	s0 =	rddreg [dreg:$0x0];
	s2 =	stileid.u32  }
0xad: {  	s1 =	rddreg [dreg:$0x1];
	p0 =	sne.s32 s2, $0x0  }
0xae: {  	s3 =	rddreg [dreg:$0x2];
	[bflag:$0x3] =	sbarrier.arrive $0xFFFF;
	s2 =	simm.s32 @!p0 $0x1C03  }
0xaf: {  	[timem:s3], [sflag:s2] =	dma.local @!p0 [hbm:s0], s1  }
0xb0: {  	s0 =	simm.s32 @!p0 $0x3  }
0xb1: {  	_ =	swait.ge @!p0 [sflag:s0], s1  }
0xb2: {  	s1 =	ssub.s32 @!p0 $0x0, s1;
	[sflag:s0] =	ssyncset.done @!p0 $0x0  }
0xb3: {  	[sflag:s0] =	ssyncadd.s32 @!p0 s1  }
0xb4: {  	[bflag:$0x3] =	sbarrier.arrive $0xFFFF  }
0xb5: {  	_ =	shalt  }

// kernel: kernel.14.cloned.1.call-start
scs
__scs_entry_jumppad:
0x0: {  	(pc) =	sbr.rel $0x88, $3  }
0x1: {  	(tag) =	ssettag $0x0;
	lr =	simm.s32 $0x1  }
0x2: {  	[smem:$0x3F9A] =	sst lr;
	_ =	strace $0xD0000000  }
0x3: {  	_ = 	snop  }
0x4: {  	_ = 	snop  }
0x5: {  	_ = 	snop  }
0x6: {  	_ = 	snop  }
0x7: {  	_ = 	snop  }
__scs_overlays_trampoline_lowered:
0x8: {  	[smem:$0x3FA9] =	sst s0  }
0x9: {  	[smem:$0x3FAA] =	sst s1  }
0xa: {  	[smem:$0x3FAB] =	sst s2  }
0xb: {  	[smem:$0x3FAC] =	sst s3  }
0xc: {  	[smem:$0x3FAD] =	sst s4  }
0xd: {  	[smem:$0x3FAE] =	sst s5  }
0xe: {  	[smem:$0x3FAF] =	sst s6  }
0xf: {  	[smem:$0x3FB0] =	sst s7  }
0x10: {  	[smem:$0x3FB1] =	sst s8  }
0x11: {  	[smem:$0x3FB2] =	sst s9;
	s0 =	simm.s32 @!p0 $0x0  }
0x12: {  	s1 =	sld [smem:$0x3F98];
	s0 =	simm.s32 @p0 $0x1  }
0x13: {  	[smem:$0x3FB3] =	sst s0;
	s0 =	simm.s32 @!p1 $0x0  }
0x14: {  	s2 =	sld [smem:$0x3F97];
	s0 =	simm.s32 @p1 $0x1  }
0x15: {  	[smem:$0x3FB4] =	sst s0;
	s0 =	simm.s32 @!p2 $0x0  }
0x16: {  	s3 =	sld [smem:$0x3FDB];
	s0 =	simm.s32 @p2 $0x1  }
0x17: {  	s4 =	simm.s32 $0x1BF5;
	[smem:$0x3FB6] =	sst s0  }
0x18: {  	s0 =	sld [smem:$0x3F99];
	_ =	swait.ge [sflag:s4], $0x0  }
0x19: {  	s7 =	sld [smem:$0x3F9A]  }
0x1a: {  	s8 =	sadd.s32 $0xFFFFE003, lr  }
0x1b: {  	s9 =	sadd.s32 $0xFFFFFEF7, lr;
	s5 =	simm.s32 $0xFFFFFFFF;
	p2 =	slt.u32 s8, $0xFFFFF086  }
0x1c: {  	p1 =	slt.u32 s9, $0xF7A;
	s5 =	simm.s32 @!p2 $0x0  }
0x1d: {  	s5 =	simm.s32 @p1 $0x1;
	p0 =	seq.s32 s7, s2  }
0x1e: {  	s7 =	smul.u32 @!p0 $0xF7A, s2;
	p2 =	seq.s32 @!p0 s5, $0x0  }
0x1f: {  	s9 =	smul.u32 $0xF7A, s1;
	s8 =	simm.s32 @!p0 $0x1BF5;
	p2 =	por !p2, p0  }
0x20: {  	[sflag:s8] =	ssyncset.s32 @!p0 $0xFFFFF086;
	s6 =	sadd.s32 @!p0 s3, s7;
	s7 =	simm.s32 @!p0 $0x108  }
0x21: {  	s3 =	sadd.s32 s3, s9;
	s6 =	sadd.s32 @!p0 $0x88, s6;
	s7 =	simm.s32 @p2 $0x1082  }
0x22: {  	[simem:s7], [sflag:s8] =	dma.local @!p0 [hbm:s6], $0xF7A  }
0x23: {  	s9 =	sor.u32 $0xD0000000, s2;
	s6 =	simm.s32 $0x108;
	_ =	swait.ge @!p0 [sflag:s8], $0x0  }
0x24: {  	s3 =	sadd.s32 $0x88, s3;
	s6 =	simm.s32 @!p1 $0x1082;
	[sflag:s4] =	ssyncset.s32 $0xFFFFF086  }
0x25: {  	[simem:s6], [sflag:s4] =	dma.local [hbm:s3], $0xF7A  }
0x26: {  	[smem:$0x3F9A] =	sst s1;
	(tag) =	ssettag s2;
	_ =	strace s9  }
0x27: {  	s1 =	sld [smem:$0x3FAA]  }
0x28: {  	s2 =	sld [smem:$0x3FAB]  }
0x29: {  	s4 =	sld [smem:$0x3FAD]  }
0x2a: {  	p0 =	seq.s32 s5, $0x0;
	s5 =	sld [smem:$0x3FAE]  }
0x2b: {  	s6 =	sld [smem:$0x3FAF]  }
0x2c: {  	s7 =	sld [smem:$0x3FB0]  }
0x2d: {  	s3 =	simm.s32 $0x108;
	s8 =	sld [smem:$0x3FB1]  }
0x2e: {  	s3 =	simm.s32 @!p0 $0x1082;
	s9 =	sld [smem:$0x3FB2]  }
0x2f: {  	lr =	sadd.s32 s0, s3;
	s0 =	sld [smem:$0x3FA9]  }
0x30: {  	s3 =	sld [smem:$0x3FAC]  }
0x31: {  	[smem:$0x3FB5] =	sst s10  }
0x32: {  	s10 =	sld [smem:$0x3FB3];
	_ =	sdelay $0x3  }
0x33: {  	p0 =	seq.s32 s10, $0x1;
	s10 =	sld [smem:$0x3FB5];
	_ =	sdelay $0x3  }
0x34: {  	[smem:$0x3FB5] =	sst s10  }
0x35: {  	s10 =	sld [smem:$0x3FB4];
	_ =	sdelay $0x3  }
0x36: {  	p1 =	seq.s32 s10, $0x1;
	s10 =	sld [smem:$0x3FB5];
	_ =	sdelay $0x3  }
0x37: {  	[smem:$0x3FB5] =	sst s10  }
0x38: {  	s10 =	sld [smem:$0x3FB6]  }
0x39: {  	_ = 	snop;
	(pc) =	sbr.ind lr, $3  }
0x3a: {  	_ = 	snop  }
0x3b: {  	_ = 	snop  }
0x3c: {  	p2 =	seq.s32 s10, $0x1;
	s10 =	sld [smem:$0x3FB5]  }
0x3d: {  	_ =	shalt  }
0x3e: {  	_ =	shalt  }
0x3f: {  	_ =	shalt  }
0x40: {  	_ =	shalt  }
0x41: {  	_ =	shalt  }
0x42: {  	_ =	shalt  }
0x43: {  	_ =	shalt  }
0x44: {  	_ =	shalt  }
0x45: {  	_ =	shalt  }
0x46: {  	_ =	shalt  }
0x47: {  	_ =	shalt  }
0x48: {  	_ =	shalt  }
0x49: {  	_ =	shalt  }
0x4a: {  	_ =	shalt  }
0x4b: {  	_ =	shalt  }
0x4c: {  	_ =	shalt  }
0x4d: {  	_ =	shalt  }
0x4e: {  	_ =	shalt  }
0x4f: {  	_ =	shalt  }
0x50: {  	_ =	shalt  }
0x51: {  	_ =	shalt  }
0x52: {  	_ =	shalt  }
0x53: {  	_ =	shalt  }
0x54: {  	_ =	shalt  }
0x55: {  	_ =	shalt  }
0x56: {  	_ =	shalt  }
0x57: {  	_ =	shalt  }
0x58: {  	_ =	shalt  }
0x59: {  	_ =	shalt  }
0x5a: {  	_ =	shalt  }
0x5b: {  	_ =	shalt  }
0x5c: {  	_ =	shalt  }
0x5d: {  	_ =	shalt  }
0x5e: {  	_ =	shalt  }
0x5f: {  	_ =	shalt  }
0x60: {  	_ =	shalt  }
0x61: {  	_ =	shalt  }
0x62: {  	_ =	shalt  }
0x63: {  	_ =	shalt  }
0x64: {  	_ =	shalt  }
0x65: {  	_ =	shalt  }
0x66: {  	_ =	shalt  }
0x67: {  	_ =	shalt  }
0x68: {  	_ =	shalt  }
0x69: {  	_ =	shalt  }
0x6a: {  	_ =	shalt  }
0x6b: {  	_ =	shalt  }
0x6c: {  	_ =	shalt  }
0x6d: {  	_ =	shalt  }
0x6e: {  	_ =	shalt  }
0x6f: {  	_ =	shalt  }
0x70: {  	_ =	shalt  }
0x71: {  	_ =	shalt  }
0x72: {  	_ =	shalt  }
0x73: {  	_ =	shalt  }
0x74: {  	_ =	shalt  }
0x75: {  	_ =	shalt  }
0x76: {  	_ =	shalt  }
0x77: {  	_ =	shalt  }
0x78: {  	_ =	shalt  }
0x79: {  	_ =	shalt  }
0x7a: {  	_ =	shalt  }
0x7b: {  	_ =	shalt  }
0x7c: {  	_ =	shalt  }
0x7d: {  	_ =	shalt  }
0x7e: {  	_ =	shalt  }
0x7f: {  	_ =	shalt  }
0x80: {  	_ =	shalt  }
0x81: {  	_ =	shalt  }
0x82: {  	_ =	shalt  }
0x83: {  	_ =	shalt  }
0x84: {  	_ =	shalt  }
0x85: {  	_ =	shalt  }
0x86: {  	_ =	shalt  }
0x87: {  	_ =	shalt  }
.Lfunc_end0:
.L_simem_size_0:
called_computation.2_lowered:
.L_overlay_start_0:
0x88: {  	s2 =	sld [smem:$0x3FD9]  }
0x89: {  	s3 =	sld [smem:$0x3FFE];
	_ =	sdelay $0x1  }
0x8a: {  	s1 =	srdreg.scid  }
0x8b: {  	s0 =	sand.u32 $0x1, s1  }
0x8c: {  	s16 =	sshll.u32 s0, $0xA;
	s2 =	sadd.s32 s3, s2  }
0x8d: {  	s2 =	sadd.s32 s2, s16  }
0x8e: {  	[smem:$0x3FC1] =	sst s2  }
0x8f: {  	_ = 	snop  }
0x90: {  	(tm) =	ssettm $0x1  }
0x91: {  	s17 =	sld [smem:$0x3FFB];
	_ =	sdelay $0x3  }
0x92: {  	_ =	strace s17  }
0x93: {  	s2 =	sld [smem:$0x3FFC];
	_ =	sdelay $0x3  }
0x94: {  	_ =	strace s2  }
0x95: {  	s2 =	sld [smem:$0x3FFD];
	_ =	sdelay $0x3  }
0x96: {  	_ =	strace s2  }
0x97: {  	_ =	strace $0x8FFFFFFF  }
0x98: {  	s18 =	sld [smem:$0x3FDB];
	_ =	sdelay $0x1  }
0x99: {  	s19 =	simm.s32 $_scs_section_size  }
0x9a: {  	s4 =	simm.s32 $_size__tile_overlayer_lowered;
	s5 =	simm.s32 $_tile_overlayer_lowered  }
0x9b: {  	s22 =	simm.s32 $0x1BFF;
	s21 =	sshll.u32 s5, $0x1;
	s2 =	sadd.s32 s19, s18  }
0x9c: {  	s6 =	simm.s32 $0x0;
	s20 =	sshll.u32 s4, $0x1;
	s4 =	sadd.s32 s21, s2  }
0x9d: {  	[timem:s6], [sflag:s22] =	dma.local [hbm:s4], s20  }
0x9e: {  	_ =	swait.ge [sflag:s22], s20  }
0x9f: {  	s3 =	ssub.s32 $0x0, s20;
	[sflag:s22] =	ssyncset.done $0x0  }
0xa0: {  	[sflag:s22] =	ssyncadd.s32 s3;
	_ =	sdelay $0x1  }
0xa1: {  	s23 =	simm.s32 $0x1B8B  }
0xa2: {  	_ =	swait.ge [sflag:s23], $0x1  }
0xa3: {  	[sflag:s23] =	ssyncset.done $0x0  }
0xa4: {  	s25 =	simm.s32 $0x1B8E;
	s24 =	sld [smem:$0x3FFE];
	[sflag:s23] =	ssyncadd.s32 $0xFFFFFFFF  }
0xa5: {  	s26 =	simm.s32 $execute0_lowered;
	[smem:$0x3FD2] =	sst s25  }
0xa6: {  	s4 =	sshll.u32 s26, $0x1;
	_ =	strace $0x8000004C;
	[dreg:$0x1] =	wrdreg $0xFFFFFFFF  }
0xa7: {  	s28 =	simm.s32 $_size_execute0_lowered;
	s2 =	sadd.s32 s2, s4;
	[dreg:$0x0] =	wrdreg $0x0  }
0xa8: {  	s4 =	sshll.u32 s28, $0x1;
	[dreg:$0x2] =	wrdreg s2  }
0xa9: {  	[dreg:$0x3] =	wrdreg s4  }
0xaa: {  	[dreg:$0x4] =	wrdreg $0xC0  }
0xab: {  	_ =	task [dreg:s6], $0x5FFFF  }
0xac: {  	[dreg:$0x1] =	wrdreg $0xFFFFFFFF  }
0xad: {  	[dreg:$0x0] =	wrdreg $0x60  }
0xae: {  	[dreg:$0x2] =	wrdreg s24  }
0xaf: {  	[dreg:$0x3] =	wrdreg $0x0  }
0xb0: {  	[dreg:$0x4] =	wrdreg $0x9  }
0xb1: {  	_ =	task.clear_ibuf [dreg:s6], $0x5FFFF;
	_ =	strace $0x9000004C  }
0xb2: {  	s29 =	simm.s32 $0x9;
	_ =	strace $0x8000004E  }
0xb3: {  	_ =	swait.ge [sflag:s29], $0x1  }
0xb4: {  	[sflag:s29] =	ssyncadd.s32 $0xFFFFFFFF  }
0xb5: {  	_ =	strace $0x9000004E  }
0xb6: {  	_ =	sfence  }
0xb7: {  	s30 =	sld [smem:$0x0];
	_ =	sdelay $0x2  }
0xb8: {  	s31 =	sshll.u32 s1, $0xD;
	s1 =	sshrl.u32 s1, $0x2  }
0xb9: {  	s3 =	sand.u32 $0x4000, s31;
	s1 =	sadd.s32 s1, s30  }
0xba: {  	s0 =	sor.u32 s3, s0;
	s1 =	sshll.u32 s1, $0x11  }
0xbb: {  	s0 =	sor.u32 s1, s0  }
0xbc: {  	s0 =	sadd.s32 $0x8F2B, s0  }
0xbd: {  	[sflag:s0] =	ssyncadd.remote.s32 $0x1  }
0xbe: {  	_ =	sfence.sel $0xFFFF  }
0xbf: {  	[dreg:$0x0] =	wrdreg $0xFFFFFFFF;
	(pc) =	sbr.abs _section_cstart, $3  }
0xc0: {  	[dreg:$0x1] =	wrdreg $0xFFFFFFFF  }
0xc1: {  	_ =	task.clear_ibuf [dreg:s6], $0x2FFFF;
	_ =	strace $0x9FFFFFFF  }
0xc2: {  	(tm) =	ssettm $0x7FFFFFFF  }
0xc3: {  	_ =	shalt  }
tec
execute0_lowered:
.L_overlay_start_1:
0x0: {  	(tag) =	ssettag $0x1  }
0x1: {  	s0 =	rddreg [dreg:$0x0]  }
0x2: {  	s2 =	rddreg [dreg:$0x1]  }
0x3: {  	s3 =	simm.s32 $0x0;
	s1 =	stileid.u32;
	s4 =	srdreg.scid  }
0x4: {  	s18 =	simm.s32 $0x3;
	s19 =	simm.s32 $0x14000;
	s20 =	simm.s32 $0x14080  }
0x5: {  	s21 =	simm.s32 $0x80;
	s22 =	simm.s32 $0x14200;
	s23 =	simm.s32 $0x14100  }
0x6: {  	s28 =	simm.s32 $0x2;
	s29 =	simm.s32 $0x0;
	[smem:$0x7FF] =	sst s3  }
0x7: {  	s5 =	smul.u32 $0x14000, s1;
	s6 =	sand.u32 $0x1, s4;
	s4 =	sadd.s32 $0x520400, s0  }
0x8: {  	s16 =	sadd.s32 $0xC400, s0;
	s15 =	sadd.s32 $0x2400, s0;
	s9 =	smul.u32 $0x50000, s1  }
0x9: {  	s24 =	sshll.u32 s1, $0x1;
	s11 =	smul.u32 $0x5000, s1;
	s26 =	sshll.u32 s1, $0x6  }
0xa: {  	_ =	strace $0x8000004D;
	s7 =	smul.u32 $0x140000, s6;
	s25 =	ssub.s32 $0x2, s6  }
0xb: {  	s13 =	smul.u32 $0x2800, s6;
	s8 =	sshrl.u32 s5, $0x3;
	s10 =	sshrl.u32 s25, $0x1  }
0xc: {  	s9 =	sshrl.u32 s9, $0x2;
	s8 =	sadd.s32 s8, s0;
	s5 =	sadd.s32 s5, s7  }
0xd: {  	s7 =	sor.u32 s6, s24;
	s10 =	ssub.s32 s25, s10;
	s17 =	sadd.s32 s9, s2  }
0xe: {  	s6 =	sor.u32 $0x1C03, s26;
	s31 =	sadd.s32 s13, s11;
	s24 =	simm.s32 $0x14180  }
0xf: {  	s25 =	simm.s32 $0x18200;
	s26 =	simm.s32 $0x1;
	s5 =	sshrl.u32 s5, $0x3  }
0x10: {  	s7 =	smul.u32 $0x2800, s7;
	s30 =	sadd.s32 $0x548400, s8;
	s10 =	smax.u32 s10, $0x1  }
0x11: {  	s13 =	sor.u32 $0x100, s31;
	s17 =	sshrl.u32 s17, $0x3;
	s0 =	sadd.s32 s5, s0  }
0x12: {  	[dreg:$0x3] =	wrdreg s30;
	s14 =	sshrl.u32 s13, $0x3;
	s12 =	sshrl.u32 s7, $0x3  }
0x13: {  	s9 =	sadd.s32 $0x570400, s0;
	s0 =	sor.u32 $0x80, s31;
	s13 =	sadd.s32 s14, s15  }
0x14: {  	s7 =	sadd.s32 s16, s12;
	s8 =	sadd.s32 s15, s12;
	s12 =	sadd.s32 $0x4F0, s12  }
0x15: {  	s14 =	sadd.s32 s14, s16;
	s0 =	sshrl.u32 s0, $0x3;
	s11 =	sadd.s32 s16, s12  }
0x16: {  	s12 =	sadd.s32 s15, s12;
	s15 =	sadd.s32 s0, s15;
	s16 =	sadd.s32 s0, s16  }
.LBB2_1:
0x17: {  	s0 =	rddreg [dreg:$0x3]  }
0x18: {  	[spmem:s17], [sflag:s6] =	dma.local [hbm:s0], $0x2800  }
0x19: {  	_ =	swait.ge [sflag:s18], $0x2800  }
0x1a: {  	[sflag:s18] =	ssyncset.done $0x0  }
0x1b: {  	[sflag:s18] =	ssyncadd.s32 $0xFFFFD800  }
0x1c: {  	[bflag:$0x0] =	sbarrier.arrive $0xFFFF  }
0x1d: {  	[tilespmem:s19], [sflag:$0x3] =	stream.linear.gather [hbm4b:s7+s3], $0x80, $0x38;
	[tilespmem:$0x1C200] =	vst v63  }
0x1e: {  	_ =	swait.ge [sflag:s18], $0x80  }
0x1f: {  	[sflag:s18] =	ssyncset.done $0x0  }
0x20: {  	[sflag:s18] =	ssyncadd.s32 $0xFFFFFF80  }
0x21: {  	[tilespmem:s20], [sflag:$0x3] =	stream.linear.gather [hbm4b:s8+s3], $0x80, $0x38;
	[tilespmem:$0x1C200] =	vst v63  }
0x22: {  	_ =	swait.ge [sflag:s18], $0x80  }
0x23: {  	[sflag:s18] =	ssyncset.done $0x0  }
0x24: {  	[sflag:s18] =	ssyncadd.s32 $0xFFFFFF80  }
0x25: {  	[tilespmem:s22], [sflag:$0x1] =	stream.indirect.gather [hbm4b:s4+s21], $0x80, s19, s21, $0xb8;
	[tilespmem:$0x1C200] =	vst v63  }
0x26: {  	s1 =	sadd.s32 $0x0, s16  }
0x27: {  	[tilespmem:s23], [sflag:$0x3] =	stream.linear.gather [hbm4b:s1+s3], $0x80, $0x38;
	[tilespmem:$0x1C200] =	vst v63  }
0x28: {  	_ =	swait.ge [sflag:s18], $0x80  }
0x29: {  	[sflag:s18] =	ssyncset.done $0x0  }
0x2a: {  	s5 =	sadd.s32 $0x0, s15;
	[sflag:s18] =	ssyncadd.s32 $0xFFFFFF80  }
0x2b: {  	[tilespmem:s24], [sflag:$0x3] =	stream.linear.gather [hbm4b:s5+s3], $0x80, $0x38;
	[tilespmem:$0x1C200] =	vst v63  }
0x2c: {  	_ =	swait.ge [sflag:s18], $0x80  }
0x2d: {  	[sflag:s18] =	ssyncset.done $0x0  }
0x2e: {  	[sflag:s18] =	ssyncadd.s32 $0xFFFFFF80  }
0x2f: {  	[tilespmem:s25], [sflag:$0x2] =	stream.indirect.gather [hbm4b:s4+s21], $0x80, s23, s21, $0xb8;
	[tilespmem:$0x1C200] =	vst v63  }
0x30: {  	_ =	swait.ge [sflag:s26], $0x4000  }
0x31: {  	[sflag:s26] =	ssyncset.done $0x0  }
0x32: {  	[sflag:s26] =	ssyncadd.s32 $0xFFFFC000  }
0x33: {  	[spmem:s2] =	stream.indirect.scatter.add.f32 [tilespmem:s22], [sflag:$0x3], $0x80, s20, s21, $0xb8;
	[tilespmem:$0x1C200] =	vst v63  }
0x34: {  	_ =	swait.ge [sflag:s18], $0x4000  }
0x35: {  	[sflag:s18] =	ssyncset.done $0x0  }
0x36: {  	s1 =	sadd.s32 $0x0, s14;
	[sflag:s18] =	ssyncadd.s32 $0xFFFFC000  }
0x37: {  	[tilespmem:s19], [sflag:$0x3] =	stream.linear.gather [hbm4b:s1+s3], $0x80, $0x38;
	[tilespmem:$0x1C200] =	vst v63  }
0x38: {  	_ =	swait.ge [sflag:s18], $0x80  }
0x39: {  	[sflag:s18] =	ssyncset.done $0x0  }
0x3a: {  	s5 =	sadd.s32 $0x0, s13;
	[sflag:s18] =	ssyncadd.s32 $0xFFFFFF80  }
0x3b: {  	[tilespmem:s20], [sflag:$0x3] =	stream.linear.gather [hbm4b:s5+s3], $0x80, $0x38;
	[tilespmem:$0x1C200] =	vst v63  }
0x3c: {  	_ =	swait.ge [sflag:s18], $0x80  }
0x3d: {  	[sflag:s18] =	ssyncset.done $0x0  }
0x3e: {  	[sflag:s18] =	ssyncadd.s32 $0xFFFFFF80  }
0x3f: {  	[tilespmem:s22], [sflag:$0x1] =	stream.indirect.gather [hbm4b:s4+s21], $0x80, s19, s21, $0xb8;
	[tilespmem:$0x1C200] =	vst v63  }
0x40: {  	_ =	swait.ge [sflag:s28], $0x4000  }
0x41: {  	[sflag:s28] =	ssyncset.done $0x0  }
0x42: {  	[sflag:s28] =	ssyncadd.s32 $0xFFFFC000  }
0x43: {  	[spmem:s2] =	stream.indirect.scatter.add.f32 [tilespmem:s25], [sflag:$0x3], $0x80, s24, s21, $0xb8;
	[tilespmem:$0x1C200] =	vst v63  }
0x44: {  	_ =	swait.ge [sflag:s18], $0x4000  }
0x45: {  	s30 =	simm.s32 $0x20;
	s31 =	simm.s32 $0x40;
	[sflag:s18] =	ssyncset.done $0x0  }
.LBB2_2:
0x46: {  	s1 =	sadd.s32 s30, s16  }
0x47: {  	[sflag:s18] =	ssyncadd.s32 $0xFFFFC000;
	s5 =	smov.u32 s31;
	s0 =	sadd.s32 $0x20, s31  }
0x48: {  	[tilespmem:s23], [sflag:$0x3] =	stream.linear.gather [hbm4b:s1+s3], $0x80, $0x38;
	[tilespmem:$0x1C200] =	vst v63  }
0x49: {  	p0 =	sne.s32 s31, $0x4C0;
	_ =	swait.ge [sflag:s18], $0x80  }
0x4a: {  	[sflag:s18] =	ssyncset.done $0x0  }
0x4b: {  	s1 =	sadd.s32 s30, s15;
	[sflag:s18] =	ssyncadd.s32 $0xFFFFFF80  }
0x4c: {  	[tilespmem:s24], [sflag:$0x3] =	stream.linear.gather [hbm4b:s1+s3], $0x80, $0x38;
	[tilespmem:$0x1C200] =	vst v63  }
0x4d: {  	_ =	swait.ge [sflag:s18], $0x80  }
0x4e: {  	[sflag:s18] =	ssyncset.done $0x0  }
0x4f: {  	[sflag:s18] =	ssyncadd.s32 $0xFFFFFF80  }
0x50: {  	[tilespmem:s25], [sflag:$0x2] =	stream.indirect.gather [hbm4b:s4+s21], $0x80, s23, s21, $0xb8;
	[tilespmem:$0x1C200] =	vst v63  }
0x51: {  	_ =	swait.ge [sflag:s26], $0x4000  }
0x52: {  	[sflag:s26] =	ssyncset.done $0x0  }
0x53: {  	[sflag:s26] =	ssyncadd.s32 $0xFFFFC000  }
0x54: {  	[spmem:s2] =	stream.indirect.scatter.add.f32 [tilespmem:s22], [sflag:$0x3], $0x80, s20, s21, $0xb8;
	[tilespmem:$0x1C200] =	vst v63  }
0x55: {  	_ =	swait.ge [sflag:s18], $0x4000  }
0x56: {  	[sflag:s18] =	ssyncset.done $0x0  }
0x57: {  	s1 =	sadd.s32 s30, s14;
	[sflag:s18] =	ssyncadd.s32 $0xFFFFC000  }
0x58: {  	[tilespmem:s19], [sflag:$0x3] =	stream.linear.gather [hbm4b:s1+s3], $0x80, $0x38;
	[tilespmem:$0x1C200] =	vst v63  }
0x59: {  	_ =	swait.ge [sflag:s18], $0x80  }
0x5a: {  	[sflag:s18] =	ssyncset.done $0x0  }
0x5b: {  	s1 =	sadd.s32 s30, s13;
	s30 =	smov.u32 s5;
	[sflag:s18] =	ssyncadd.s32 $0xFFFFFF80  }
0x5c: {  	[tilespmem:s20], [sflag:$0x3] =	stream.linear.gather [hbm4b:s1+s3], $0x80, $0x38;
	[tilespmem:$0x1C200] =	vst v63  }
0x5d: {  	_ =	swait.ge [sflag:s18], $0x80  }
0x5e: {  	[sflag:s18] =	ssyncset.done $0x0  }
0x5f: {  	[sflag:s18] =	ssyncadd.s32 $0xFFFFFF80  }
0x60: {  	[tilespmem:s22], [sflag:$0x1] =	stream.indirect.gather [hbm4b:s4+s21], $0x80, s19, s21, $0xb8;
	[tilespmem:$0x1C200] =	vst v63  }
0x61: {  	_ =	swait.ge [sflag:s28], $0x4000  }
.Ltmp0:
0x62: {  	[sflag:s28] =	ssyncset.done $0x0;
	(pc) =	sbr.rel @p0 .LBB2_2-.Ltmp0, $4  }
0x63: {  	[sflag:s28] =	ssyncadd.s32 $0xFFFFC000  }
0x64: {  	[spmem:s2] =	stream.indirect.scatter.add.f32 [tilespmem:s25], [sflag:$0x3], $0x80, s24, s21, $0xb8;
	[tilespmem:$0x1C200] =	vst v63  }
0x65: {  	_ =	swait.ge [sflag:s18], $0x4000  }
0x66: {  	s31 =	smov.u32 s0;
	[sflag:s18] =	ssyncset.done $0x0  }
0x67: {  	s0 =	sadd.s32 s30, s16;
	[sflag:s18] =	ssyncadd.s32 $0xFFFFC000  }
0x68: {  	[tilespmem:s23], [sflag:$0x3] =	stream.linear.gather [hbm4b:s0+s3], $0x80, $0x38;
	[tilespmem:$0x1C200] =	vst v63  }
0x69: {  	_ =	swait.ge [sflag:s18], $0x80  }
0x6a: {  	[sflag:s18] =	ssyncset.done $0x0  }
0x6b: {  	s1 =	sadd.s32 s30, s15;
	[sflag:s18] =	ssyncadd.s32 $0xFFFFFF80  }
0x6c: {  	[tilespmem:s24], [sflag:$0x3] =	stream.linear.gather [hbm4b:s1+s3], $0x80, $0x38;
	[tilespmem:$0x1C200] =	vst v63  }
0x6d: {  	_ =	swait.ge [sflag:s18], $0x80  }
0x6e: {  	[sflag:s18] =	ssyncset.done $0x0  }
0x6f: {  	[sflag:s18] =	ssyncadd.s32 $0xFFFFFF80  }
0x70: {  	[tilespmem:s25], [sflag:$0x2] =	stream.indirect.gather [hbm4b:s4+s21], $0x80, s23, s21, $0xb8;
	[tilespmem:$0x1C200] =	vst v63  }
0x71: {  	_ =	swait.ge [sflag:s26], $0x4000  }
0x72: {  	[sflag:s26] =	ssyncset.done $0x0  }
0x73: {  	[sflag:s26] =	ssyncadd.s32 $0xFFFFC000  }
0x74: {  	[spmem:s2] =	stream.indirect.scatter.add.f32 [tilespmem:s22], [sflag:$0x3], $0x80, s20, s21, $0xb8;
	[tilespmem:$0x1C200] =	vst v63  }
0x75: {  	_ =	swait.ge [sflag:s18], $0x4000  }
0x76: {  	[sflag:s18] =	ssyncset.done $0x0  }
0x77: {  	s5 =	sadd.s32 s30, s14;
	[sflag:s18] =	ssyncadd.s32 $0xFFFFC000  }
0x78: {  	[tilespmem:s19], [sflag:$0x3] =	stream.linear.gather [hbm4b:s5+s3], $0x80, $0x38;
	[tilespmem:$0x1C200] =	vst v63  }
0x79: {  	_ =	swait.ge [sflag:s18], $0x80  }
0x7a: {  	[sflag:s18] =	ssyncset.done $0x0  }
0x7b: {  	s31 =	sadd.s32 s30, s13;
	[sflag:s18] =	ssyncadd.s32 $0xFFFFFF80  }
0x7c: {  	[tilespmem:s20], [sflag:$0x3] =	stream.linear.gather [hbm4b:s31+s3], $0x80, $0x38;
	[tilespmem:$0x1C200] =	vst v63  }
0x7d: {  	_ =	swait.ge [sflag:s18], $0x80  }
0x7e: {  	[sflag:s18] =	ssyncset.done $0x0  }
0x7f: {  	[sflag:s18] =	ssyncadd.s32 $0xFFFFFF80  }
0x80: {  	[tilespmem:s22], [sflag:$0x1] =	stream.indirect.gather [hbm4b:s4+s21], $0x80, s19, s21, $0xb8;
	[tilespmem:$0x1C200] =	vst v63  }
0x81: {  	_ =	swait.ge [sflag:s28], $0x4000  }
0x82: {  	[sflag:s28] =	ssyncset.done $0x0  }
0x83: {  	[sflag:s28] =	ssyncadd.s32 $0xFFFFC000  }
0x84: {  	[spmem:s2] =	stream.indirect.scatter.add.f32 [tilespmem:s25], [sflag:$0x3], $0x80, s24, s21, $0xb8;
	[tilespmem:$0x1C200] =	vst v63  }
0x85: {  	_ =	swait.ge [sflag:s18], $0x4000  }
0x86: {  	[sflag:s18] =	ssyncset.done $0x0  }
0x87: {  	[sflag:s18] =	ssyncadd.s32 $0xFFFFC000  }
0x88: {  	[tilespmem:s23], [sflag:$0x3] =	stream.linear.gather [hbm4b:s11+s3], $0x80, $0x38;
	[tilespmem:$0x1C200] =	vst v63  }
0x89: {  	_ =	swait.ge [sflag:s18], $0x80  }
0x8a: {  	[sflag:s18] =	ssyncset.done $0x0  }
0x8b: {  	[sflag:s18] =	ssyncadd.s32 $0xFFFFFF80  }
0x8c: {  	[tilespmem:s24], [sflag:$0x3] =	stream.linear.gather [hbm4b:s12+s3], $0x80, $0x38;
	[tilespmem:$0x1C200] =	vst v63  }
0x8d: {  	_ =	swait.ge [sflag:s18], $0x80  }
0x8e: {  	[sflag:s18] =	ssyncset.done $0x0  }
0x8f: {  	[sflag:s18] =	ssyncadd.s32 $0xFFFFFF80  }
0x90: {  	[tilespmem:s25], [sflag:$0x2] =	stream.indirect.gather [hbm4b:s4+s21], $0x80, s23, s21, $0xb8;
	[tilespmem:$0x1C200] =	vst v63  }
0x91: {  	_ =	swait.ge [sflag:s26], $0x4000  }
0x92: {  	[sflag:s26] =	ssyncset.done $0x0  }
0x93: {  	[sflag:s26] =	ssyncadd.s32 $0xFFFFC000  }
0x94: {  	[spmem:s2] =	stream.indirect.scatter.add.f32 [tilespmem:s22], [sflag:$0x3], $0x80, s20, s21, $0xb8;
	[tilespmem:$0x1C200] =	vst v63  }
0x95: {  	_ =	swait.ge [sflag:s18], $0x4000  }
0x96: {  	[sflag:s18] =	ssyncset.done $0x0  }
0x97: {  	[sflag:s18] =	ssyncadd.s32 $0xFFFFC000  }
0x98: {  	_ =	swait.ge [sflag:s28], $0x4000  }
0x99: {  	[sflag:s28] =	ssyncset.done $0x0  }
0x9a: {  	[sflag:s28] =	ssyncadd.s32 $0xFFFFC000  }
0x9b: {  	[spmem:s2] =	stream.indirect.scatter.add.f32 [tilespmem:s25], [sflag:$0x3], $0x80, s24, s21, $0xb8;
	[tilespmem:$0x1C200] =	vst v63  }
0x9c: {  	_ =	swait.ge [sflag:s18], $0x4000  }
0x9d: {  	s29 =	sadd.s32 $0x1, s29;
	[sflag:s18] =	ssyncset.done $0x0  }
0x9e: {  	p0 =	sne.s32 s29, s10;
	[sflag:s18] =	ssyncadd.s32 $0xFFFFC000  }
.Ltmp1:
0x9f: {  	[bflag:$0x0] =	sbarrier.arrive $0xFFFF;
	(pc) =	sbr.rel @p0 .LBB2_1-.Ltmp1, $4  }
0xa0: {  	[hbm:s9], [sflag:s6] =	dma.local [spmem:s17], $0x2800  }
0xa1: {  	_ =	swait.ge [sflag:s18], $0x2800  }
0xa2: {  	[sflag:s18] =	ssyncset.done $0x0  }
0xa3: {  	[sflag:s18] =	ssyncadd.s32 $0xFFFFD800  }
0xa4: {  	_ =	sfence.sel $0x180000  }
0xa5: {  	[bflag:$0x0] =	sbarrier.arrive $0xFFFF  }
0xa6: {  	_ =	strace $0x9000004D  }
0xa7: {  	s0 =	stileid.u32;
	[bflag:$0x2] =	sbarrier.arrive $0xFFFF  }
0xa8: {  	p0 =	sne.s32 s0, $0x0;
	s0 =	rddreg [dreg:$0x2]  }
0xa9: {  	s0 =	sadd.s32 @!p0 $0x100000, s0  }
0xaa: {  	[sflag:s0] =	ssyncadd.tile.s32 @!p0 $0x1;
	_ =	shalt  }
.Lfunc_end2:
_tile_overlayer_lowered:
.L_overlay_start_2:
0xab: {  	(tag) =	ssettag $0x2  }
0xac: {  	s0 =	rddreg [dreg:$0x0];
	s2 =	stileid.u32  }
0xad: {  	s1 =	rddreg [dreg:$0x1];
	p0 =	sne.s32 s2, $0x0  }
0xae: {  	s3 =	rddreg [dreg:$0x2];
	[bflag:$0x3] =	sbarrier.arrive $0xFFFF;
	s2 =	simm.s32 @!p0 $0x1C03  }
0xaf: {  	[timem:s3], [sflag:s2] =	dma.local @!p0 [hbm:s0], s1  }
0xb0: {  	s0 =	simm.s32 @!p0 $0x3  }
0xb1: {  	_ =	swait.ge @!p0 [sflag:s0], s1  }
0xb2: {  	s1 =	ssub.s32 @!p0 $0x0, s1;
	[sflag:s0] =	ssyncset.done @!p0 $0x0  }
0xb3: {  	[sflag:s0] =	ssyncadd.s32 @!p0 s1  }
0xb4: {  	[bflag:$0x3] =	sbarrier.arrive $0xFFFF  }
0xb5: {  	_ =	shalt  }

// kernel: kernel.8.cloned.1.call-start
scs
__scs_entry_jumppad:
0x0: {  	(pc) =	sbr.rel $0x88, $3  }
0x1: {  	(tag) =	ssettag $0x0;
	lr =	simm.s32 $0x1  }
0x2: {  	[smem:$0x3F9A] =	sst lr;
	_ =	strace $0xD0000000  }
0x3: {  	_ = 	snop  }
0x4: {  	_ = 	snop  }
0x5: {  	_ = 	snop  }
0x6: {  	_ = 	snop  }
0x7: {  	_ = 	snop  }
__scs_overlays_trampoline_lowered:
0x8: {  	[smem:$0x3FA9] =	sst s0  }
0x9: {  	[smem:$0x3FAA] =	sst s1  }
0xa: {  	[smem:$0x3FAB] =	sst s2  }
0xb: {  	[smem:$0x3FAC] =	sst s3  }
0xc: {  	[smem:$0x3FAD] =	sst s4  }
0xd: {  	[smem:$0x3FAE] =	sst s5  }
0xe: {  	[smem:$0x3FAF] =	sst s6  }
0xf: {  	[smem:$0x3FB0] =	sst s7  }
0x10: {  	[smem:$0x3FB1] =	sst s8  }
0x11: {  	[smem:$0x3FB2] =	sst s9;
	s0 =	simm.s32 @!p0 $0x0  }
0x12: {  	s1 =	sld [smem:$0x3F98];
	s0 =	simm.s32 @p0 $0x1  }
0x13: {  	[smem:$0x3FB3] =	sst s0;
	s0 =	simm.s32 @!p1 $0x0  }
0x14: {  	s2 =	sld [smem:$0x3F97];
	s0 =	simm.s32 @p1 $0x1  }
0x15: {  	[smem:$0x3FB4] =	sst s0;
	s0 =	simm.s32 @!p2 $0x0  }
0x16: {  	s3 =	sld [smem:$0x3FDB];
	s0 =	simm.s32 @p2 $0x1  }
0x17: {  	s4 =	simm.s32 $0x1BF5;
	[smem:$0x3FB6] =	sst s0  }
0x18: {  	s0 =	sld [smem:$0x3F99];
	_ =	swait.ge [sflag:s4], $0x0  }
0x19: {  	s7 =	sld [smem:$0x3F9A]  }
0x1a: {  	s8 =	sadd.s32 $0xFFFFE003, lr  }
0x1b: {  	s9 =	sadd.s32 $0xFFFFFEF7, lr;
	s5 =	simm.s32 $0xFFFFFFFF;
	p2 =	slt.u32 s8, $0xFFFFF086  }
0x1c: {  	p1 =	slt.u32 s9, $0xF7A;
	s5 =	simm.s32 @!p2 $0x0  }
0x1d: {  	s5 =	simm.s32 @p1 $0x1;
	p0 =	seq.s32 s7, s2  }
0x1e: {  	s7 =	smul.u32 @!p0 $0xF7A, s2;
	p2 =	seq.s32 @!p0 s5, $0x0  }
0x1f: {  	s9 =	smul.u32 $0xF7A, s1;
	s8 =	simm.s32 @!p0 $0x1BF5;
	p2 =	por !p2, p0  }
0x20: {  	[sflag:s8] =	ssyncset.s32 @!p0 $0xFFFFF086;
	s6 =	sadd.s32 @!p0 s3, s7;
	s7 =	simm.s32 @!p0 $0x108  }
0x21: {  	s3 =	sadd.s32 s3, s9;
	s6 =	sadd.s32 @!p0 $0x88, s6;
	s7 =	simm.s32 @p2 $0x1082  }
0x22: {  	[simem:s7], [sflag:s8] =	dma.local @!p0 [hbm:s6], $0xF7A  }
0x23: {  	s9 =	sor.u32 $0xD0000000, s2;
	s6 =	simm.s32 $0x108;
	_ =	swait.ge @!p0 [sflag:s8], $0x0  }
0x24: {  	s3 =	sadd.s32 $0x88, s3;
	s6 =	simm.s32 @!p1 $0x1082;
	[sflag:s4] =	ssyncset.s32 $0xFFFFF086  }
0x25: {  	[simem:s6], [sflag:s4] =	dma.local [hbm:s3], $0xF7A  }
0x26: {  	[smem:$0x3F9A] =	sst s1;
	(tag) =	ssettag s2;
	_ =	strace s9  }
0x27: {  	s1 =	sld [smem:$0x3FAA]  }
0x28: {  	s2 =	sld [smem:$0x3FAB]  }
0x29: {  	s4 =	sld [smem:$0x3FAD]  }
0x2a: {  	p0 =	seq.s32 s5, $0x0;
	s5 =	sld [smem:$0x3FAE]  }
0x2b: {  	s6 =	sld [smem:$0x3FAF]  }
0x2c: {  	s7 =	sld [smem:$0x3FB0]  }
0x2d: {  	s3 =	simm.s32 $0x108;
	s8 =	sld [smem:$0x3FB1]  }
0x2e: {  	s3 =	simm.s32 @!p0 $0x1082;
	s9 =	sld [smem:$0x3FB2]  }
0x2f: {  	lr =	sadd.s32 s0, s3;
	s0 =	sld [smem:$0x3FA9]  }
0x30: {  	s3 =	sld [smem:$0x3FAC]  }
0x31: {  	[smem:$0x3FB5] =	sst s10  }
0x32: {  	s10 =	sld [smem:$0x3FB3];
	_ =	sdelay $0x3  }
0x33: {  	p0 =	seq.s32 s10, $0x1;
	s10 =	sld [smem:$0x3FB5];
	_ =	sdelay $0x3  }
0x34: {  	[smem:$0x3FB5] =	sst s10  }
0x35: {  	s10 =	sld [smem:$0x3FB4];
	_ =	sdelay $0x3  }
0x36: {  	p1 =	seq.s32 s10, $0x1;
	s10 =	sld [smem:$0x3FB5];
	_ =	sdelay $0x3  }
0x37: {  	[smem:$0x3FB5] =	sst s10  }
0x38: {  	s10 =	sld [smem:$0x3FB6]  }
0x39: {  	_ = 	snop;
	(pc) =	sbr.ind lr, $3  }
0x3a: {  	_ = 	snop  }
0x3b: {  	_ = 	snop  }
0x3c: {  	p2 =	seq.s32 s10, $0x1;
	s10 =	sld [smem:$0x3FB5]  }
0x3d: {  	_ =	shalt  }
0x3e: {  	_ =	shalt  }
0x3f: {  	_ =	shalt  }
0x40: {  	_ =	shalt  }
0x41: {  	_ =	shalt  }
0x42: {  	_ =	shalt  }
0x43: {  	_ =	shalt  }
0x44: {  	_ =	shalt  }
0x45: {  	_ =	shalt  }
0x46: {  	_ =	shalt  }
0x47: {  	_ =	shalt  }
0x48: {  	_ =	shalt  }
0x49: {  	_ =	shalt  }
0x4a: {  	_ =	shalt  }
0x4b: {  	_ =	shalt  }
0x4c: {  	_ =	shalt  }
0x4d: {  	_ =	shalt  }
0x4e: {  	_ =	shalt  }
0x4f: {  	_ =	shalt  }
0x50: {  	_ =	shalt  }
0x51: {  	_ =	shalt  }
0x52: {  	_ =	shalt  }
0x53: {  	_ =	shalt  }
0x54: {  	_ =	shalt  }
0x55: {  	_ =	shalt  }
0x56: {  	_ =	shalt  }
0x57: {  	_ =	shalt  }
0x58: {  	_ =	shalt  }
0x59: {  	_ =	shalt  }
0x5a: {  	_ =	shalt  }
0x5b: {  	_ =	shalt  }
0x5c: {  	_ =	shalt  }
0x5d: {  	_ =	shalt  }
0x5e: {  	_ =	shalt  }
0x5f: {  	_ =	shalt  }
0x60: {  	_ =	shalt  }
0x61: {  	_ =	shalt  }
0x62: {  	_ =	shalt  }
0x63: {  	_ =	shalt  }
0x64: {  	_ =	shalt  }
0x65: {  	_ =	shalt  }
0x66: {  	_ =	shalt  }
0x67: {  	_ =	shalt  }
0x68: {  	_ =	shalt  }
0x69: {  	_ =	shalt  }
0x6a: {  	_ =	shalt  }
0x6b: {  	_ =	shalt  }
0x6c: {  	_ =	shalt  }
0x6d: {  	_ =	shalt  }
0x6e: {  	_ =	shalt  }
0x6f: {  	_ =	shalt  }
0x70: {  	_ =	shalt  }
0x71: {  	_ =	shalt  }
0x72: {  	_ =	shalt  }
0x73: {  	_ =	shalt  }
0x74: {  	_ =	shalt  }
0x75: {  	_ =	shalt  }
0x76: {  	_ =	shalt  }
0x77: {  	_ =	shalt  }
0x78: {  	_ =	shalt  }
0x79: {  	_ =	shalt  }
0x7a: {  	_ =	shalt  }
0x7b: {  	_ =	shalt  }
0x7c: {  	_ =	shalt  }
0x7d: {  	_ =	shalt  }
0x7e: {  	_ =	shalt  }
0x7f: {  	_ =	shalt  }
0x80: {  	_ =	shalt  }
0x81: {  	_ =	shalt  }
0x82: {  	_ =	shalt  }
0x83: {  	_ =	shalt  }
0x84: {  	_ =	shalt  }
0x85: {  	_ =	shalt  }
0x86: {  	_ =	shalt  }
0x87: {  	_ =	shalt  }
.Lfunc_end0:
.L_simem_size_0:
called_computation_lowered:
.L_overlay_start_0:
0x88: {  	s2 =	sld [smem:$0x3FD9]  }
0x89: {  	s3 =	sld [smem:$0x3FFE];
	_ =	sdelay $0x1  }
0x8a: {  	s1 =	srdreg.scid  }
0x8b: {  	s0 =	sand.u32 $0x1, s1  }
0x8c: {  	s16 =	sshll.u32 s0, $0xA;
	s2 =	sadd.s32 s3, s2  }
0x8d: {  	s2 =	sadd.s32 s2, s16  }
0x8e: {  	[smem:$0x3FC1] =	sst s2  }
0x8f: {  	_ = 	snop  }
0x90: {  	(tm) =	ssettm $0x1  }
0x91: {  	s17 =	sld [smem:$0x3FFB];
	_ =	sdelay $0x3  }
0x92: {  	_ =	strace s17  }
0x93: {  	s2 =	sld [smem:$0x3FFC];
	_ =	sdelay $0x3  }
0x94: {  	_ =	strace s2  }
0x95: {  	s2 =	sld [smem:$0x3FFD];
	_ =	sdelay $0x3  }
0x96: {  	_ =	strace s2  }
0x97: {  	_ =	strace $0x8FFFFFFF  }
0x98: {  	s18 =	sld [smem:$0x3FDB];
	_ =	sdelay $0x1  }
0x99: {  	s19 =	simm.s32 $_scs_section_size  }
0x9a: {  	s4 =	simm.s32 $_size__tile_overlayer_lowered;
	s5 =	simm.s32 $_tile_overlayer_lowered  }
0x9b: {  	s22 =	simm.s32 $0x1BFF;
	s21 =	sshll.u32 s5, $0x1;
	s2 =	sadd.s32 s19, s18  }
0x9c: {  	s6 =	simm.s32 $0x0;
	s20 =	sshll.u32 s4, $0x1;
	s4 =	sadd.s32 s21, s2  }
0x9d: {  	[timem:s6], [sflag:s22] =	dma.local [hbm:s4], s20  }
0x9e: {  	_ =	swait.ge [sflag:s22], s20  }
0x9f: {  	s3 =	ssub.s32 $0x0, s20;
	[sflag:s22] =	ssyncset.done $0x0  }
0xa0: {  	[sflag:s22] =	ssyncadd.s32 s3;
	_ =	sdelay $0x1  }
0xa1: {  	s23 =	simm.s32 $0x1B8B  }
0xa2: {  	_ =	swait.ge [sflag:s23], $0x1  }
0xa3: {  	[sflag:s23] =	ssyncset.done $0x0  }
0xa4: {  	s25 =	simm.s32 $0x1B8E;
	s24 =	sld [smem:$0x3FFE];
	[sflag:s23] =	ssyncadd.s32 $0xFFFFFFFF  }
0xa5: {  	s26 =	simm.s32 $execute0_lowered;
	[smem:$0x3FD2] =	sst s25  }
0xa6: {  	s4 =	sshll.u32 s26, $0x1;
	_ =	strace $0x80000046;
	[dreg:$0x1] =	wrdreg $0xFFFFFFFF  }
0xa7: {  	s28 =	simm.s32 $_size_execute0_lowered;
	s2 =	sadd.s32 s2, s4;
	[dreg:$0x0] =	wrdreg $0x0  }
0xa8: {  	s4 =	sshll.u32 s28, $0x1;
	[dreg:$0x2] =	wrdreg s2  }
0xa9: {  	[dreg:$0x3] =	wrdreg s4  }
0xaa: {  	[dreg:$0x4] =	wrdreg $0xC0  }
0xab: {  	_ =	task [dreg:s6], $0x5FFFF  }
0xac: {  	[dreg:$0x1] =	wrdreg $0xFFFFFFFF  }
0xad: {  	[dreg:$0x0] =	wrdreg $0x60  }
0xae: {  	[dreg:$0x2] =	wrdreg s24  }
0xaf: {  	[dreg:$0x3] =	wrdreg $0x9  }
0xb0: {  	_ =	task.clear_ibuf [dreg:s6], $0x4FFFF;
	_ =	strace $0x90000046  }
0xb1: {  	s29 =	simm.s32 $0x9;
	_ =	strace $0x80000048  }
0xb2: {  	_ =	swait.ge [sflag:s29], $0x1  }
0xb3: {  	[sflag:s29] =	ssyncadd.s32 $0xFFFFFFFF  }
0xb4: {  	_ =	strace $0x90000048  }
0xb5: {  	_ =	sfence  }
0xb6: {  	s30 =	sld [smem:$0x0];
	_ =	sdelay $0x2  }
0xb7: {  	s31 =	sshll.u32 s1, $0xD;
	s1 =	sshrl.u32 s1, $0x2  }
0xb8: {  	s3 =	sand.u32 $0x4000, s31;
	s1 =	sadd.s32 s1, s30  }
0xb9: {  	s0 =	sor.u32 s3, s0;
	s1 =	sshll.u32 s1, $0x11  }
0xba: {  	s0 =	sor.u32 s1, s0  }
0xbb: {  	s0 =	sadd.s32 $0x8F2B, s0  }
0xbc: {  	[sflag:s0] =	ssyncadd.remote.s32 $0x1  }
0xbd: {  	_ =	sfence.sel $0xFFFF  }
0xbe: {  	[dreg:$0x0] =	wrdreg $0xFFFFFFFF;
	(pc) =	sbr.abs _section_cstart, $3  }
0xbf: {  	[dreg:$0x1] =	wrdreg $0xFFFFFFFF  }
0xc0: {  	_ =	task.clear_ibuf [dreg:s6], $0x2FFFF;
	_ =	strace $0x9FFFFFFF  }
0xc1: {  	(tm) =	ssettm $0x7FFFFFFF  }
tec
execute0_lowered:
.L_overlay_start_1:
0x0: {  	(tag) =	ssettag $0x1  }
0x1: {  	s1 =	srdreg.scid  }
0x2: {  	s0 =	stileid.u32;
	s5 =	rddreg [dreg:$0x0]  }
0x3: {  	s2 =	simm.s32 $0x0;
	s8 =	simm.s32 $0x80;
	s9 =	simm.s32 $0x400  }
0x4: {  	s10 =	simm.s32 $0x0;
	s3 =	sand.u32 $0x1, s1;
	s29 =	sshll.u32 s0, $0x1  }
0x5: {  	s30 =	sshrl.u32 s0, $0x2;
	s1 =	rddreg [dreg:$0x1];
	s4 =	sor.u32 s3, s29  }
0x6: {  	[smem:$0x7FF] =	sst s2;
	s6 =	smul.u32 $0x14000, s30;
	s7 =	sshll.u32 s4, $0x7  }
0x7: {  	s3 =	ssub.s32 $0x2, s3;
	s4 =	smul.u32 $0x500, s4;
	s7 =	sand.u32 $0x380, s7  }
0x8: {  	_ =	strace $0x80000047;
	s31 =	sshrl.u32 s3, $0x1;
	s6 =	sor.u32 s6, s7  }
0x9: {  	s4 =	sadd.s32 s4, s5;
	s7 =	simm.s32 $0x1;
	s6 =	sshrl.u32 s6, $0x3  }
0xa: {  	s5 =	sadd.s32 s6, s5;
	s6 =	ssub.s32 s3, s31;
	s3 =	sadd.s32 $0x2400, s4  }
0xb: {  	v0 =	vimm.f32 $0.0e+00;
	v1 =	vimm.f32 $1.000000000e+00;
	s4 =	sadd.s32 $0x16400, s5;
	s5 =	smax.u32 s6, $0x1;
	s6 =	simm.s32 $0x2800  }
.LBB2_1:
0xc: {  	[tilespmem:s6], [sflag:$0x1] =	stream.linear.gather [hbm4b:s3+s2], $0x2800, $0x38;
	[tilespmem:$0x5000] =	vst v63  }
0xd: {  	_ =	swait.ge [sflag:s7], $0x2800  }
0xe: {  	[sflag:s7] =	ssyncset.done $0x0  }
0xf: {  	s11 =	simm.s32 $0x0;
	[sflag:s7] =	ssyncadd.s32 $0xFFFFD800  }
.LBB2_2:
0x10: {  	p0 =	sne.s32 s11, $0x9FC0  }
.Ltmp0:
0x11: {  	_ = 	snop;
	(pc) =	sbr.rel @p0 .LBB2_2-.Ltmp0, $3  }
0x12: {  	_ =	sdelay $0x1  }
0x13: {  	s12 =	sshra.s32 s11, $0x2  }
0x14: {  	s11 =	sadd.s32 $0x40, s11;
	[tilespmem:s12+$0x0] =	vst v0  }
0x15: {  	s12 =	simm.s32 $0x0;
	s11 =	simm.s32 $0x40  }
.LBB2_4:
0x16: {  	p0 =	sne.s32 s11, $0x9FC0;
	v2 =	vld [tilespmem:s12+$0x2800];
	_ =	sdelay $0x3  }
.Ltmp1:
0x17: {  	(pc) =	sbr.rel @p0 .LBB2_4-.Ltmp1, $2  }
0x18: {  	_ =	sdelay $0x2  }
0x19: {  	s12 =	sshra.s32 s11, $0x2;
	s11 =	sadd.s32 $0x40, s11;
	[tilespmem:v2+s2+$0x0] =	vst.idx.add.f32.msk $0xffff, v1  }
0x1a: {  	v2 =	vld [tilespmem:s12+$0x2800];
	_ =	sdelay $0x5  }
0x1b: {  	s10 =	sadd.s32 $0x1, s10  }
0x1c: {  	p0 =	sne.s32 s10, s5  }
.Ltmp2:
0x1d: {  	[tilespmem:v2+s2+$0x0] =	vst.idx.add.f32.msk $0xffff, v1;
	(pc) =	sbr.rel @p0 .LBB2_1-.Ltmp2, $4  }
0x1e: {  	[hbm4b:s4+s8] =	stream.strided.scatter [tilespmem:s2], [sflag:$0x1], $0x2800, s9, s8, $0x38;
	[tilespmem:$0x5000] =	vst v63  }
0x1f: {  	_ =	swait.ge [sflag:s7], $0x2800  }
0x20: {  	[sflag:s7] =	ssyncset.done $0x0  }
0x21: {  	[sflag:s7] =	ssyncadd.s32 $0xFFFFD800  }
0x22: {  	_ =	sfence.sel $0x180000  }
0x23: {  	[bflag:$0x0] =	sbarrier.arrive $0xFFFF  }
0x24: {  	p0 =	sne.s32 s0, $0x0;
	_ =	strace $0x90000047  }
0x25: {  	s0 =	sadd.s32 @!p0 $0x100000, s1;
	[bflag:$0x2] =	sbarrier.arrive $0xFFFF  }
0x26: {  	[sflag:s0] =	ssyncadd.tile.s32 @!p0 $0x1;
	_ =	shalt  }
.Lfunc_end2:
_tile_overlayer_lowered:
.L_overlay_start_2:
0x27: {  	(tag) =	ssettag $0x2  }
0x28: {  	s0 =	rddreg [dreg:$0x0];
	s2 =	stileid.u32  }
0x29: {  	s1 =	rddreg [dreg:$0x1];
	p0 =	sne.s32 s2, $0x0  }
0x2a: {  	s3 =	rddreg [dreg:$0x2];
	[bflag:$0x3] =	sbarrier.arrive $0xFFFF;
	s2 =	simm.s32 @!p0 $0x1C01  }
0x2b: {  	[timem:s3], [sflag:s2] =	dma.local @!p0 [hbm:s0], s1  }
0x2c: {  	s0 =	simm.s32 @!p0 $0x1  }
0x2d: {  	_ =	swait.ge @!p0 [sflag:s0], s1  }
0x2e: {  	s1 =	ssub.s32 @!p0 $0x0, s1;
	[sflag:s0] =	ssyncset.done @!p0 $0x0  }
0x2f: {  	[sflag:s0] =	ssyncadd.s32 @!p0 s1  }
0x30: {  	[bflag:$0x3] =	sbarrier.arrive $0xFFFF  }
0x31: {  	_ =	shalt  }

</sc_bundles>
